<compile_context>
chip_gen: v7x
topology: tpu7x:2x2x1
jax: 0.10.2.dev20260603
libtpu: 0.0.44.dev20260713+nightly
codegen_flags: <defaults>
</compile_context>

<pallas_src>
import jax
import jax.numpy as jnp
from jax import lax
from jax.experimental import pallas as pl
from jax.experimental.pallas import tpu as pltpu
from jax.experimental.pallas import tpu_sc as plsc

VOCAB = 1000000
MAXLEN = 200
EMBED = 64
BATCH = 1024
PADDED = 128

NC, NS = 2, 16
NW = NC * NS
ROWS = BATCH * MAXLEN
RPW = ROWS // NW
CHUNK = 128
CPW = RPW // CHUNK
LANES = 16


def _body(x_ref, tok_ref, pos_ref, out_ref, pos_v, idx_v, g_v, o_v, g_sem,
          o_sem):
    wid = lax.axis_index("s") * NC + lax.axis_index("c")
    base = wid * RPW

    pltpu.sync_copy(pos_ref, pos_v)
    pltpu.sync_copy(x_ref.at[pl.ds(base, RPW)], idx_v)

    def start_gather(c, buf):
        pltpu.async_copy(
            tok_ref.at[idx_v.at[pl.ds(c * CHUNK, CHUNK)]],
            g_v.at[buf], g_sem.at[buf])

    start_gather(0, 0)
    start_gather(1, 1)

    def chunk_body(c, carry):
        b = c % 2
        pltpu.make_async_copy(
            tok_ref.at[idx_v.at[pl.ds(c * CHUNK, CHUNK)]],
            g_v.at[b], g_sem.at[b]).wait()

        @pl.when(c >= 2)
        def _():
            pltpu.make_async_copy(
                o_v.at[b], out_ref.at[0], o_sem.at[b]).wait()

        phase = (c * CHUNK) % MAXLEN

        def row_body(r, carry2):
            q = phase + r
            p = q - jnp.where(q >= MAXLEN, MAXLEN, 0)
            for d in range(EMBED // LANES):
                sl = pl.ds(d * LANES, LANES)
                o_v[b, r, sl] = g_v[b, r, sl] + pos_v[p, sl]
            return carry2

        lax.fori_loop(0, CHUNK, row_body, 0, unroll=2)

        pltpu.async_copy(
            o_v.at[b], out_ref.at[wid * CPW + c], o_sem.at[b])

        @pl.when(c + 2 < CPW)
        def _():
            start_gather(c + 2, b)

        return carry

    lax.fori_loop(0, CPW, chunk_body, 0)

    pltpu.make_async_copy(
        o_v.at[0], out_ref.at[0], o_sem.at[0]).wait()
    pltpu.make_async_copy(
        o_v.at[1], out_ref.at[0], o_sem.at[1]).wait()


def kernel(x, token_table, pos_table):
    x1 = x.reshape(ROWS)
    table128 = jnp.pad(token_table, ((0, 0), (0, PADDED - EMBED)))
    mesh = plsc.VectorSubcoreMesh(
        core_axis_name="c", subcore_axis_name="s",
        num_cores=NC, num_subcores=NS)
    out = pl.kernel(
        _body,
        out_type=jax.ShapeDtypeStruct(
            (ROWS // CHUNK, CHUNK, EMBED), jnp.float32),
        mesh=mesh,
        scratch_types=[
            pltpu.VMEM((MAXLEN, EMBED), jnp.float32),
            pltpu.VMEM((RPW,), jnp.int32),
            pltpu.VMEM((2, CHUNK, PADDED), jnp.float32),
            pltpu.VMEM((2, CHUNK, EMBED), jnp.float32),
            pltpu.SemaphoreType.DMA((2,)),
            pltpu.SemaphoreType.DMA((2,)),
        ],
    )(x1, table128, pos_table)
    return out.reshape(BATCH, MAXLEN, EMBED)

# --- scband reference (transcript-rebuilt; emitter-appended) ---
"""Pipeline reference for scband-token-and-position-embedding-74887049773409 (READ-ONLY COPY).

The authoritative reference and input builder live on the scoring server;
editing this copy changes nothing except your own understanding.
"""

import jax, jax.numpy as jnp
import numpy as np

VOCAB = 1000000
MAXLEN = 200
EMBED = 64
BATCH = 1024

def setup_inputs(seed: int = 0):
    key = jax.random.key(seed)
    k1, k2, k3 = jax.random.split(key, 3)
    x = jax.random.randint(k1, (BATCH, MAXLEN), 0, VOCAB, dtype=jnp.int32)
    token_table = jax.random.normal(k2, (VOCAB, EMBED), dtype=jnp.float32) * 0.02
    pos_table = jax.random.normal(k3, (MAXLEN, EMBED), dtype=jnp.float32) * 0.02
    return {"x": x, "token_table": token_table, "pos_table": pos_table}

def reference(x, token_table, pos_table):
    # token embedding lookup: table[x] -> [B, L, D]
    tok = jnp.take(token_table, x, axis=0)
    # position embedding: positions = arange(maxlen); pos_embed(positions) == pos_table
    positions = jnp.arange(MAXLEN)
    pos = jnp.take(pos_table, positions, axis=0)
    return tok + pos[None, :, :]

if __name__ == "__main__":
    import jax
    _d = setup_inputs()
    print(jax.jit(kernel)(*tuple(_d.values())))

</pallas_src>

<mosaic_0001>
#map = affine_map<(d0, d1) -> (0)>
#map1 = affine_map<(d0, d1) -> (0, 0)>
#map2 = affine_map<(d0, d1) -> (0, 0, 0)>
module attributes {stable_mosaic.version = 14 : i64} {
  func.func @_body(%arg0: i32, %arg1: i32, %arg2: memref<204800xi32, #tpu.memory_space<hbm>>, %arg3: memref<1000000x128xf32, #tpu.memory_space<hbm>>, %arg4: memref<200x64xf32, #tpu.memory_space<hbm>>, %arg5: memref<1600x128x64xf32, #tpu.memory_space<hbm>>, %arg6: memref<200x64xf32, #tpu.memory_space<vmem>>, %arg7: memref<6400xi32, #tpu.memory_space<vmem>>, %arg8: memref<2x128x128xf32, #tpu.memory_space<vmem>>, %arg9: memref<2x128x64xf32, #tpu.memory_space<vmem>>, %arg10: memref<2x!tpu.dma_semaphore, #tpu.memory_space<semaphore_mem>>, %arg11: memref<2x!tpu.dma_semaphore, #tpu.memory_space<semaphore_mem>>) attributes {dimension_semantics = [#tpu.dimension_semantics<core_parallel>, #tpu.dimension_semantics<subcore_parallel>], iteration_bounds = array<i64: 2, 16>, scalar_prefetch = 0 : i64, scratch_operands = 6 : i64, tpu.core_type = #tpu.core_type<sc_vector_subcore>, window_params = [{transform_indices = #map}, {transform_indices = #map1}, {transform_indices = #map1}, {transform_indices = #map2}]} {
    %mul3A = arith.constant 2 : i32
    %mul3A_0 = arith.muli %arg1, %mul3A : i32
    %add3A = arith.addi %mul3A_0, %arg0 : i32
    %mul3A_1 = arith.constant 6400 : i32
    %mul3A_2 = arith.muli %add3A, %mul3A_1 : i32
    "tpu.region"() ({
      %run_scoped3A = tpu.sem_alloc : memref<!tpu.dma_semaphore, #tpu.memory_space<semaphore_mem>>
      tpu.enqueue_dma source(%arg4 : memref<200x64xf32, #tpu.memory_space<hbm>>) target(%arg6 : memref<200x64xf32, #tpu.memory_space<vmem>>) target_semaphore(%run_scoped3A : memref<!tpu.dma_semaphore, #tpu.memory_space<semaphore_mem>>)
      tpu.wait_dma2 semaphore(%run_scoped3A : memref<!tpu.dma_semaphore, #tpu.memory_space<semaphore_mem>>) src(%arg4 : memref<200x64xf32, #tpu.memory_space<hbm>>) dst(%arg6 : memref<200x64xf32, #tpu.memory_space<vmem>>)
      tpu.yield
    }) : () -> ()
    "tpu.region"() ({
      %run_scoped3A = tpu.sem_alloc : memref<!tpu.dma_semaphore, #tpu.memory_space<semaphore_mem>>
      %dma_start3A_74 = tpu.memref_slice %arg2[%mul3A_2] : memref<204800xi32, #tpu.memory_space<hbm>> -> memref<6400xi32, #tpu.memory_space<hbm>>
      %dma_start3A_75 = tpu.memref_slice %arg2[%mul3A_2] : memref<204800xi32, #tpu.memory_space<hbm>> -> memref<6400xi32, #tpu.memory_space<hbm>>
      tpu.enqueue_dma source(%dma_start3A_75 : memref<6400xi32, #tpu.memory_space<hbm>>) target(%arg7 : memref<6400xi32, #tpu.memory_space<vmem>>) target_semaphore(%run_scoped3A : memref<!tpu.dma_semaphore, #tpu.memory_space<semaphore_mem>>)
      %dma_wait3A_76 = tpu.memref_slice %arg2[%mul3A_2] : memref<204800xi32, #tpu.memory_space<hbm>> -> memref<6400xi32, #tpu.memory_space<hbm>>
      %dma_wait3A_77 = tpu.memref_slice %arg2[%mul3A_2] : memref<204800xi32, #tpu.memory_space<hbm>> -> memref<6400xi32, #tpu.memory_space<hbm>>
      tpu.wait_dma2 semaphore(%run_scoped3A : memref<!tpu.dma_semaphore, #tpu.memory_space<semaphore_mem>>) src(%dma_wait3A_77 : memref<6400xi32, #tpu.memory_space<hbm>>) dst(%arg7 : memref<6400xi32, #tpu.memory_space<vmem>>)
      tpu.yield
    }) : () -> ()
    %dma_start3A = arith.constant 0 : i32
    %dma_start3A_3 = arith.constant 0 : i32
    %dma_start3A_4 = arith.constant 0 : i32
    %dma_start3A_5 = arith.constant 0 : i32
    %dma_start3A_6 = tpu.memref_slice %arg8[%dma_start3A, %dma_start3A_4, %dma_start3A_5] : memref<2x128x128xf32, #tpu.memory_space<vmem>> -> memref<1x128x128xf32, #tpu.memory_space<vmem>>
    %dma_start3A_7 = tpu.memref_squeeze %dma_start3A_6 : memref<1x128x128xf32, #tpu.memory_space<vmem>> -> memref<128x128xf32, #tpu.memory_space<vmem>>
    %dma_start3A_8 = arith.constant 0 : i32
    %dma_start3A_9 = tpu.memref_slice %arg7[%dma_start3A_8] : memref<6400xi32, #tpu.memory_space<vmem>> -> memref<128xi32, #tpu.memory_space<vmem>>
    %dma_start3A_10 = arith.constant 0 : i32
    %dma_start3A_11 = arith.constant 0 : i32
    %dma_start3A_12 = tpu.memref_slice %arg3[%dma_start3A_10, %dma_start3A_11] : memref<1000000x128xf32, #tpu.memory_space<hbm>> -> memref<1000000x128xf32, #tpu.memory_space<hbm>>
    %dma_start3A_13 = tpu.memref_slice %arg10[%dma_start3A_3] : memref<2x!tpu.dma_semaphore, #tpu.memory_space<semaphore_mem>> -> memref<1x!tpu.dma_semaphore, #tpu.memory_space<semaphore_mem>>
    %dma_start3A_14 = tpu.memref_squeeze %dma_start3A_13 : memref<1x!tpu.dma_semaphore, #tpu.memory_space<semaphore_mem>> -> memref<!tpu.dma_semaphore, #tpu.memory_space<semaphore_mem>>
    tpu.enqueue_indirect_dma source(%dma_start3A_12 : memref<1000000x128xf32, #tpu.memory_space<hbm>>) target(%dma_start3A_7 : memref<128x128xf32, #tpu.memory_space<vmem>>) offsets(%dma_start3A_9 : memref<128xi32, #tpu.memory_space<vmem>>) semaphore(%dma_start3A_14 : memref<!tpu.dma_semaphore, #tpu.memory_space<semaphore_mem>>)
    %dma_start3A_15 = arith.constant 1 : i32
    %dma_start3A_16 = arith.constant 1 : i32
    %dma_start3A_17 = arith.constant 0 : i32
    %dma_start3A_18 = arith.constant 0 : i32
    %dma_start3A_19 = tpu.memref_slice %arg8[%dma_start3A_15, %dma_start3A_17, %dma_start3A_18] : memref<2x128x128xf32, #tpu.memory_space<vmem>> -> memref<1x128x128xf32, #tpu.memory_space<vmem>>
    %dma_start3A_20 = tpu.memref_squeeze %dma_start3A_19 : memref<1x128x128xf32, #tpu.memory_space<vmem>> -> memref<128x128xf32, #tpu.memory_space<vmem>>
    %dma_start3A_21 = arith.constant 128 : i32
    %dma_start3A_22 = tpu.memref_slice %arg7[%dma_start3A_21] : memref<6400xi32, #tpu.memory_space<vmem>> -> memref<128xi32, #tpu.memory_space<vmem>>
    %dma_start3A_23 = arith.constant 0 : i32
    %dma_start3A_24 = arith.constant 0 : i32
    %dma_start3A_25 = tpu.memref_slice %arg3[%dma_start3A_23, %dma_start3A_24] : memref<1000000x128xf32, #tpu.memory_space<hbm>> -> memref<1000000x128xf32, #tpu.memory_space<hbm>>
    %dma_start3A_26 = tpu.memref_slice %arg10[%dma_start3A_16] : memref<2x!tpu.dma_semaphore, #tpu.memory_space<semaphore_mem>> -> memref<1x!tpu.dma_semaphore, #tpu.memory_space<semaphore_mem>>
    %dma_start3A_27 = tpu.memref_squeeze %dma_start3A_26 : memref<1x!tpu.dma_semaphore, #tpu.memory_space<semaphore_mem>> -> memref<!tpu.dma_semaphore, #tpu.memory_space<semaphore_mem>>
    tpu.enqueue_indirect_dma source(%dma_start3A_25 : memref<1000000x128xf32, #tpu.memory_space<hbm>>) target(%dma_start3A_20 : memref<128x128xf32, #tpu.memory_space<vmem>>) offsets(%dma_start3A_22 : memref<128xi32, #tpu.memory_space<vmem>>) semaphore(%dma_start3A_27 : memref<!tpu.dma_semaphore, #tpu.memory_space<semaphore_mem>>)
    %scan3A = arith.constant 0 : i32
    %scan3A_28 = arith.constant 0 : i32
    %scan3A_29 = arith.constant 50 : i32
    %scan3A_30 = arith.addi %scan3A_28, %scan3A_29 : i32
    %scan3A_31 = arith.constant 1 : i32
    scf.for %scan3A_74 = %scan3A_28 to %scan3A_30 step %scan3A_31  : i32 {
      %jit3A = arith.constant 2 : i32
      %eq3A = arith.constant 0 : i32
      %eq3A_75 = arith.cmpi eq, %jit3A, %eq3A : i32
      %jit3A_76 = arith.constant 1 : i32
      %select_n3A = arith.select %eq3A_75, %jit3A_76, %jit3A : i32
      %rem3A = arith.remsi %scan3A_74, %select_n3A : i32
      %ne3A = arith.constant 0 : i32
      %ne3A_77 = arith.cmpi ne, %rem3A, %ne3A : i32
      %lt3A = arith.constant 0 : i32
      %lt3A_78 = arith.cmpi slt, %rem3A, %lt3A : i32
      %lt3A_79 = arith.constant 0 : i32
      %lt3A_80 = arith.cmpi slt, %select_n3A, %lt3A_79 : i32
      %ne3A_81 = arith.xori %lt3A_78, %lt3A_80 : i1
      %and3A = arith.andi %ne3A_81, %ne3A_77 : i1
      %add3A_82 = arith.addi %rem3A, %select_n3A : i32
      %select_n3A_83 = arith.select %and3A, %add3A_82, %rem3A : i32
      %mul3A_84 = arith.constant 128 : i32
      %mul3A_85 = arith.muli %scan3A_74, %mul3A_84 : i32
      %dma_wait3A_86 = arith.constant 0 : i32
      %dma_wait3A_87 = arith.constant 0 : i32
      %dma_wait3A_88 = tpu.memref_slice %arg8[%select_n3A_83, %dma_wait3A_86, %dma_wait3A_87] : memref<2x128x128xf32, #tpu.memory_space<vmem>> -> memref<1x128x128xf32, #tpu.memory_space<vmem>>
      %dma_wait3A_89 = tpu.memref_squeeze %dma_wait3A_88 : memref<1x128x128xf32, #tpu.memory_space<vmem>> -> memref<128x128xf32, #tpu.memory_space<vmem>>
      %dma_wait3A_90 = tpu.memref_slice %arg7[%mul3A_85] : memref<6400xi32, #tpu.memory_space<vmem>> -> memref<128xi32, #tpu.memory_space<vmem>>
      %dma_wait3A_91 = arith.constant 0 : i32
      %dma_wait3A_92 = arith.constant 0 : i32
      %dma_wait3A_93 = tpu.memref_slice %arg3[%dma_wait3A_91, %dma_wait3A_92] : memref<1000000x128xf32, #tpu.memory_space<hbm>> -> memref<1000000x128xf32, #tpu.memory_space<hbm>>
      %dma_wait3A_94 = tpu.memref_slice %arg10[%select_n3A_83] : memref<2x!tpu.dma_semaphore, #tpu.memory_space<semaphore_mem>> -> memref<1x!tpu.dma_semaphore, #tpu.memory_space<semaphore_mem>>
      %dma_wait3A_95 = tpu.memref_squeeze %dma_wait3A_94 : memref<1x!tpu.dma_semaphore, #tpu.memory_space<semaphore_mem>> -> memref<!tpu.dma_semaphore, #tpu.memory_space<semaphore_mem>>
      tpu.wait_indirect_dma semaphore(%dma_wait3A_95 : memref<!tpu.dma_semaphore, #tpu.memory_space<semaphore_mem>>) src(%dma_wait3A_93 : memref<1000000x128xf32, #tpu.memory_space<hbm>>) dst(%dma_wait3A_89 : memref<128x128xf32, #tpu.memory_space<vmem>>)
      %ge3A = arith.constant 2 : i32
      %ge3A_96 = arith.cmpi sge, %scan3A_74, %ge3A : i32
      %convert_element_type3A = arith.extui %ge3A_96 : i1 to i32
      %cond3A = arith.constant 0 : i32
      %cond3A_97 = arith.cmpi ne, %convert_element_type3A, %cond3A : i32
      scf.if %cond3A_97 {
        %dma_wait3A_150 = arith.constant 0 : i32
        %dma_wait3A_151 = arith.constant 0 : i32
        %dma_wait3A_152 = arith.constant 0 : i32
        %dma_wait3A_153 = tpu.memref_slice %arg9[%select_n3A_83, %dma_wait3A_151, %dma_wait3A_152] : memref<2x128x64xf32, #tpu.memory_space<vmem>> -> memref<1x128x64xf32, #tpu.memory_space<vmem>>
        %dma_wait3A_154 = tpu.memref_squeeze %dma_wait3A_153 : memref<1x128x64xf32, #tpu.memory_space<vmem>> -> memref<128x64xf32, #tpu.memory_space<vmem>>
        %dma_wait3A_155 = arith.constant 0 : i32
        %dma_wait3A_156 = arith.constant 0 : i32
        %dma_wait3A_157 = tpu.memref_slice %arg5[%dma_wait3A_150, %dma_wait3A_155, %dma_wait3A_156] : memref<1600x128x64xf32, #tpu.memory_space<hbm>> -> memref<1x128x64xf32, #tpu.memory_space<hbm>>
        %dma_wait3A_158 = tpu.memref_squeeze %dma_wait3A_157 : memref<1x128x64xf32, #tpu.memory_space<hbm>> -> memref<128x64xf32, #tpu.memory_space<hbm>>
        %dma_wait3A_159 = tpu.memref_slice %arg11[%select_n3A_83] : memref<2x!tpu.dma_semaphore, #tpu.memory_space<semaphore_mem>> -> memref<1x!tpu.dma_semaphore, #tpu.memory_space<semaphore_mem>>
        %dma_wait3A_160 = tpu.memref_squeeze %dma_wait3A_159 : memref<1x!tpu.dma_semaphore, #tpu.memory_space<semaphore_mem>> -> memref<!tpu.dma_semaphore, #tpu.memory_space<semaphore_mem>>
        %dma_wait3A_161 = arith.constant 0 : i32
        %dma_wait3A_162 = arith.constant 0 : i32
        %dma_wait3A_163 = tpu.memref_slice %arg5[%dma_wait3A_150, %dma_wait3A_161, %dma_wait3A_162] : memref<1600x128x64xf32, #tpu.memory_space<hbm>> -> memref<1x128x64xf32, #tpu.memory_space<hbm>>
        %dma_wait3A_164 = tpu.memref_squeeze %dma_wait3A_163 : memref<1x128x64xf32, #tpu.memory_space<hbm>> -> memref<128x64xf32, #tpu.memory_space<hbm>>
        %dma_wait3A_165 = arith.constant 0 : i32
        %dma_wait3A_166 = arith.constant 0 : i32
        %dma_wait3A_167 = tpu.memref_slice %arg9[%select_n3A_83, %dma_wait3A_165, %dma_wait3A_166] : memref<2x128x64xf32, #tpu.memory_space<vmem>> -> memref<1x128x64xf32, #tpu.memory_space<vmem>>
        %dma_wait3A_168 = tpu.memref_squeeze %dma_wait3A_167 : memref<1x128x64xf32, #tpu.memory_space<vmem>> -> memref<128x64xf32, #tpu.memory_space<vmem>>
        tpu.wait_dma2 semaphore(%dma_wait3A_160 : memref<!tpu.dma_semaphore, #tpu.memory_space<semaphore_mem>>) src(%dma_wait3A_168 : memref<128x64xf32, #tpu.memory_space<vmem>>) dst(%dma_wait3A_164 : memref<128x64xf32, #tpu.memory_space<hbm>>)
      } else {
      }
      %mul3A_98 = arith.constant 128 : i32
      %mul3A_99 = arith.muli %scan3A_74, %mul3A_98 : i32
      %jit3A_100 = arith.constant 200 : i32
      %eq3A_101 = arith.constant 0 : i32
      %eq3A_102 = arith.cmpi eq, %jit3A_100, %eq3A_101 : i32
      %jit3A_103 = arith.constant 1 : i32
      %select_n3A_104 = arith.select %eq3A_102, %jit3A_103, %jit3A_100 : i32
      %rem3A_105 = arith.remsi %mul3A_99, %select_n3A_104 : i32
      %ne3A_106 = arith.constant 0 : i32
      %ne3A_107 = arith.cmpi ne, %rem3A_105, %ne3A_106 : i32
      %lt3A_108 = arith.constant 0 : i32
      %lt3A_109 = arith.cmpi slt, %rem3A_105, %lt3A_108 : i32
      %lt3A_110 = arith.constant 0 : i32
      %lt3A_111 = arith.cmpi slt, %select_n3A_104, %lt3A_110 : i32
      %ne3A_112 = arith.xori %lt3A_109, %lt3A_111 : i1
      %and3A_113 = arith.andi %ne3A_112, %ne3A_107 : i1
      %add3A_114 = arith.addi %rem3A_105, %select_n3A_104 : i32
      %select_n3A_115 = arith.select %and3A_113, %add3A_114, %rem3A_105 : i32
      %scan3A_116 = arith.constant 0 : i32
      %scan3A_117 = arith.constant 0 : i32
      %scan3A_118 = arith.constant 128 : i32
      %scan3A_119 = arith.addi %scan3A_117, %scan3A_118 : i32
      %scan3A_120 = arith.constant 2 : i32
      scf.for %scan3A_150 = %scan3A_117 to %scan3A_119 step %scan3A_120  : i32 {
        %add3A_151 = arith.addi %select_n3A_115, %scan3A_150 : i32
        %ge3A_152 = arith.constant 200 : i32
        %ge3A_153 = arith.cmpi sge, %add3A_151, %ge3A_152 : i32
        %jit3A_154 = arith.constant 200 : i32
        %jit3A_155 = arith.constant 0 : i32
        %select_n3A_156 = arith.select %ge3A_153, %jit3A_154, %jit3A_155 : i32
        %sub3A = arith.subi %add3A_151, %select_n3A_156 : i32
        %get3A = arith.index_cast %select_n3A_83 : i32 to index
        %get3A_157 = arith.index_cast %scan3A_150 : i32 to index
        %get3A_158 = arith.constant 0 : index
        %get3A_159 = tpu.vector_load %arg8[%get3A, %get3A_157, %get3A_158] {strides = array<i32>} : memref<2x128x128xf32, #tpu.memory_space<vmem>>, vector<1x1x16xf32>,
        %get3A_160 = vector.shape_cast %get3A_159 : vector<1x1x16xf32> to vector<16xf32>
        %get3A_161 = arith.index_cast %sub3A : i32 to index
        %get3A_162 = arith.constant 0 : index
        %get3A_163 = tpu.vector_load %arg6[%get3A_161, %get3A_162] {strides = array<i32>} : memref<200x64xf32, #tpu.memory_space<vmem>>, vector<1x16xf32>,
        %get3A_164 = vector.shape_cast %get3A_163 : vector<1x16xf32> to vector<16xf32>
        %add3A_165 = arith.addf %get3A_160, %get3A_164 : vector<16xf32>
        %swap3A = arith.index_cast %select_n3A_83 : i32 to index
        %swap3A_166 = arith.index_cast %scan3A_150 : i32 to index
        %swap3A_167 = arith.constant 0 : index
        %swap3A_168 = tpu.vector_load %arg9[%swap3A, %swap3A_166, %swap3A_167] {strides = array<i32>} : memref<2x128x64xf32, #tpu.memory_space<vmem>>, vector<1x1x16xf32>,
        %swap3A_169 = vector.shape_cast %swap3A_168 : vector<1x1x16xf32> to vector<16xf32>
        %swap3A_170 = vector.shape_cast %add3A_165 : vector<16xf32> to vector<1x1x16xf32>
        tpu.vector_store %arg9[%swap3A, %swap3A_166, %swap3A_167], %swap3A_170 {strides = array<i32>} : memref<2x128x64xf32, #tpu.memory_space<vmem>>, vector<1x1x16xf32>,
        %get3A_171 = arith.index_cast %select_n3A_83 : i32 to index
        %get3A_172 = arith.index_cast %scan3A_150 : i32 to index
        %get3A_173 = arith.constant 16 : index
        %get3A_174 = tpu.vector_load %arg8[%get3A_171, %get3A_172, %get3A_173] {strides = array<i32>} : memref<2x128x128xf32, #tpu.memory_space<vmem>>, vector<1x1x16xf32>,
        %get3A_175 = vector.shape_cast %get3A_174 : vector<1x1x16xf32> to vector<16xf32>
        %get3A_176 = arith.index_cast %sub3A : i32 to index
        %get3A_177 = arith.constant 16 : index
        %get3A_178 = tpu.vector_load %arg6[%get3A_176, %get3A_177] {strides = array<i32>} : memref<200x64xf32, #tpu.memory_space<vmem>>, vector<1x16xf32>,
        %get3A_179 = vector.shape_cast %get3A_178 : vector<1x16xf32> to vector<16xf32>
        %add3A_180 = arith.addf %get3A_175, %get3A_179 : vector<16xf32>
        %swap3A_181 = arith.index_cast %select_n3A_83 : i32 to index
        %swap3A_182 = arith.index_cast %scan3A_150 : i32 to index
        %swap3A_183 = arith.constant 16 : index
        %swap3A_184 = tpu.vector_load %arg9[%swap3A_181, %swap3A_182, %swap3A_183] {strides = array<i32>} : memref<2x128x64xf32, #tpu.memory_space<vmem>>, vector<1x1x16xf32>,
        %swap3A_185 = vector.shape_cast %swap3A_184 : vector<1x1x16xf32> to vector<16xf32>
        %swap3A_186 = vector.shape_cast %add3A_180 : vector<16xf32> to vector<1x1x16xf32>
        tpu.vector_store %arg9[%swap3A_181, %swap3A_182, %swap3A_183], %swap3A_186 {strides = array<i32>} : memref<2x128x64xf32, #tpu.memory_space<vmem>>, vector<1x1x16xf32>,
        %get3A_187 = arith.index_cast %select_n3A_83 : i32 to index
        %get3A_188 = arith.index_cast %scan3A_150 : i32 to index
        %get3A_189 = arith.constant 32 : index
        %get3A_190 = tpu.vector_load %arg8[%get3A_187, %get3A_188, %get3A_189] {strides = array<i32>} : memref<2x128x128xf32, #tpu.memory_space<vmem>>, vector<1x1x16xf32>,
        %get3A_191 = vector.shape_cast %get3A_190 : vector<1x1x16xf32> to vector<16xf32>
        %get3A_192 = arith.index_cast %sub3A : i32 to index
        %get3A_193 = arith.constant 32 : index
        %get3A_194 = tpu.vector_load %arg6[%get3A_192, %get3A_193] {strides = array<i32>} : memref<200x64xf32, #tpu.memory_space<vmem>>, vector<1x16xf32>,
        %get3A_195 = vector.shape_cast %get3A_194 : vector<1x16xf32> to vector<16xf32>
        %add3A_196 = arith.addf %get3A_191, %get3A_195 : vector<16xf32>
        %swap3A_197 = arith.index_cast %select_n3A_83 : i32 to index
        %swap3A_198 = arith.index_cast %scan3A_150 : i32 to index
        %swap3A_199 = arith.constant 32 : index
        %swap3A_200 = tpu.vector_load %arg9[%swap3A_197, %swap3A_198, %swap3A_199] {strides = array<i32>} : memref<2x128x64xf32, #tpu.memory_space<vmem>>, vector<1x1x16xf32>,
        %swap3A_201 = vector.shape_cast %swap3A_200 : vector<1x1x16xf32> to vector<16xf32>
        %swap3A_202 = vector.shape_cast %add3A_196 : vector<16xf32> to vector<1x1x16xf32>
        tpu.vector_store %arg9[%swap3A_197, %swap3A_198, %swap3A_199], %swap3A_202 {strides = array<i32>} : memref<2x128x64xf32, #tpu.memory_space<vmem>>, vector<1x1x16xf32>,
        %get3A_203 = arith.index_cast %select_n3A_83 : i32 to index
        %get3A_204 = arith.index_cast %scan3A_150 : i32 to index
        %get3A_205 = arith.constant 48 : index
        %get3A_206 = tpu.vector_load %arg8[%get3A_203, %get3A_204, %get3A_205] {strides = array<i32>} : memref<2x128x128xf32, #tpu.memory_space<vmem>>, vector<1x1x16xf32>,
        %get3A_207 = vector.shape_cast %get3A_206 : vector<1x1x16xf32> to vector<16xf32>
        %get3A_208 = arith.index_cast %sub3A : i32 to index
        %get3A_209 = arith.constant 48 : index
        %get3A_210 = tpu.vector_load %arg6[%get3A_208, %get3A_209] {strides = array<i32>} : memref<200x64xf32, #tpu.memory_space<vmem>>, vector<1x16xf32>,
        %get3A_211 = vector.shape_cast %get3A_210 : vector<1x16xf32> to vector<16xf32>
        %add3A_212 = arith.addf %get3A_207, %get3A_211 : vector<16xf32>
        %swap3A_213 = arith.index_cast %select_n3A_83 : i32 to index
        %swap3A_214 = arith.index_cast %scan3A_150 : i32 to index
        %swap3A_215 = arith.constant 48 : index
        %swap3A_216 = tpu.vector_load %arg9[%swap3A_213, %swap3A_214, %swap3A_215] {strides = array<i32>} : memref<2x128x64xf32, #tpu.memory_space<vmem>>, vector<1x1x16xf32>,
        %swap3A_217 = vector.shape_cast %swap3A_216 : vector<1x1x16xf32> to vector<16xf32>
        %swap3A_218 = vector.shape_cast %add3A_212 : vector<16xf32> to vector<1x1x16xf32>
        tpu.vector_store %arg9[%swap3A_213, %swap3A_214, %swap3A_215], %swap3A_218 {strides = array<i32>} : memref<2x128x64xf32, #tpu.memory_space<vmem>>, vector<1x1x16xf32>,
        %scan3A_219 = arith.constant 1 : i32
        %scan3A_220 = arith.addi %scan3A_150, %scan3A_219 : i32
        %add3A_221 = arith.addi %select_n3A_115, %scan3A_220 : i32
        %ge3A_222 = arith.constant 200 : i32
        %ge3A_223 = arith.cmpi sge, %add3A_221, %ge3A_222 : i32
        %jit3A_224 = arith.constant 200 : i32
        %jit3A_225 = arith.constant 0 : i32
        %select_n3A_226 = arith.select %ge3A_223, %jit3A_224, %jit3A_225 : i32
        %sub3A_227 = arith.subi %add3A_221, %select_n3A_226 : i32
        %get3A_228 = arith.index_cast %select_n3A_83 : i32 to index
        %get3A_229 = arith.index_cast %scan3A_220 : i32 to index
        %get3A_230 = arith.constant 0 : index
        %get3A_231 = tpu.vector_load %arg8[%get3A_228, %get3A_229, %get3A_230] {strides = array<i32>} : memref<2x128x128xf32, #tpu.memory_space<vmem>>, vector<1x1x16xf32>,
        %get3A_232 = vector.shape_cast %get3A_231 : vector<1x1x16xf32> to vector<16xf32>
        %get3A_233 = arith.index_cast %sub3A_227 : i32 to index
        %get3A_234 = arith.constant 0 : index
        %get3A_235 = tpu.vector_load %arg6[%get3A_233, %get3A_234] {strides = array<i32>} : memref<200x64xf32, #tpu.memory_space<vmem>>, vector<1x16xf32>,
        %get3A_236 = vector.shape_cast %get3A_235 : vector<1x16xf32> to vector<16xf32>
        %add3A_237 = arith.addf %get3A_232, %get3A_236 : vector<16xf32>
        %swap3A_238 = arith.index_cast %select_n3A_83 : i32 to index
        %swap3A_239 = arith.index_cast %scan3A_220 : i32 to index
        %swap3A_240 = arith.constant 0 : index
        %swap3A_241 = tpu.vector_load %arg9[%swap3A_238, %swap3A_239, %swap3A_240] {strides = array<i32>} : memref<2x128x64xf32, #tpu.memory_space<vmem>>, vector<1x1x16xf32>,
        %swap3A_242 = vector.shape_cast %swap3A_241 : vector<1x1x16xf32> to vector<16xf32>
        %swap3A_243 = vector.shape_cast %add3A_237 : vector<16xf32> to vector<1x1x16xf32>
        tpu.vector_store %arg9[%swap3A_238, %swap3A_239, %swap3A_240], %swap3A_243 {strides = array<i32>} : memref<2x128x64xf32, #tpu.memory_space<vmem>>, vector<1x1x16xf32>,
        %get3A_244 = arith.index_cast %select_n3A_83 : i32 to index
        %get3A_245 = arith.index_cast %scan3A_220 : i32 to index
        %get3A_246 = arith.constant 16 : index
        %get3A_247 = tpu.vector_load %arg8[%get3A_244, %get3A_245, %get3A_246] {strides = array<i32>} : memref<2x128x128xf32, #tpu.memory_space<vmem>>, vector<1x1x16xf32>,
        %get3A_248 = vector.shape_cast %get3A_247 : vector<1x1x16xf32> to vector<16xf32>
        %get3A_249 = arith.index_cast %sub3A_227 : i32 to index
        %get3A_250 = arith.constant 16 : index
        %get3A_251 = tpu.vector_load %arg6[%get3A_249, %get3A_250] {strides = array<i32>} : memref<200x64xf32, #tpu.memory_space<vmem>>, vector<1x16xf32>,
        %get3A_252 = vector.shape_cast %get3A_251 : vector<1x16xf32> to vector<16xf32>
        %add3A_253 = arith.addf %get3A_248, %get3A_252 : vector<16xf32>
        %swap3A_254 = arith.index_cast %select_n3A_83 : i32 to index
        %swap3A_255 = arith.index_cast %scan3A_220 : i32 to index
        %swap3A_256 = arith.constant 16 : index
        %swap3A_257 = tpu.vector_load %arg9[%swap3A_254, %swap3A_255, %swap3A_256] {strides = array<i32>} : memref<2x128x64xf32, #tpu.memory_space<vmem>>, vector<1x1x16xf32>,
        %swap3A_258 = vector.shape_cast %swap3A_257 : vector<1x1x16xf32> to vector<16xf32>
        %swap3A_259 = vector.shape_cast %add3A_253 : vector<16xf32> to vector<1x1x16xf32>
        tpu.vector_store %arg9[%swap3A_254, %swap3A_255, %swap3A_256], %swap3A_259 {strides = array<i32>} : memref<2x128x64xf32, #tpu.memory_space<vmem>>, vector<1x1x16xf32>,
        %get3A_260 = arith.index_cast %select_n3A_83 : i32 to index
        %get3A_261 = arith.index_cast %scan3A_220 : i32 to index
        %get3A_262 = arith.constant 32 : index
        %get3A_263 = tpu.vector_load %arg8[%get3A_260, %get3A_261, %get3A_262] {strides = array<i32>} : memref<2x128x128xf32, #tpu.memory_space<vmem>>, vector<1x1x16xf32>,
        %get3A_264 = vector.shape_cast %get3A_263 : vector<1x1x16xf32> to vector<16xf32>
        %get3A_265 = arith.index_cast %sub3A_227 : i32 to index
        %get3A_266 = arith.constant 32 : index
        %get3A_267 = tpu.vector_load %arg6[%get3A_265, %get3A_266] {strides = array<i32>} : memref<200x64xf32, #tpu.memory_space<vmem>>, vector<1x16xf32>,
        %get3A_268 = vector.shape_cast %get3A_267 : vector<1x16xf32> to vector<16xf32>
        %add3A_269 = arith.addf %get3A_264, %get3A_268 : vector<16xf32>
        %swap3A_270 = arith.index_cast %select_n3A_83 : i32 to index
        %swap3A_271 = arith.index_cast %scan3A_220 : i32 to index
        %swap3A_272 = arith.constant 32 : index
        %swap3A_273 = tpu.vector_load %arg9[%swap3A_270, %swap3A_271, %swap3A_272] {strides = array<i32>} : memref<2x128x64xf32, #tpu.memory_space<vmem>>, vector<1x1x16xf32>,
        %swap3A_274 = vector.shape_cast %swap3A_273 : vector<1x1x16xf32> to vector<16xf32>
        %swap3A_275 = vector.shape_cast %add3A_269 : vector<16xf32> to vector<1x1x16xf32>
        tpu.vector_store %arg9[%swap3A_270, %swap3A_271, %swap3A_272], %swap3A_275 {strides = array<i32>} : memref<2x128x64xf32, #tpu.memory_space<vmem>>, vector<1x1x16xf32>,
        %get3A_276 = arith.index_cast %select_n3A_83 : i32 to index
        %get3A_277 = arith.index_cast %scan3A_220 : i32 to index
        %get3A_278 = arith.constant 48 : index
        %get3A_279 = tpu.vector_load %arg8[%get3A_276, %get3A_277, %get3A_278] {strides = array<i32>} : memref<2x128x128xf32, #tpu.memory_space<vmem>>, vector<1x1x16xf32>,
        %get3A_280 = vector.shape_cast %get3A_279 : vector<1x1x16xf32> to vector<16xf32>
        %get3A_281 = arith.index_cast %sub3A_227 : i32 to index
        %get3A_282 = arith.constant 48 : index
        %get3A_283 = tpu.vector_load %arg6[%get3A_281, %get3A_282] {strides = array<i32>} : memref<200x64xf32, #tpu.memory_space<vmem>>, vector<1x16xf32>,
        %get3A_284 = vector.shape_cast %get3A_283 : vector<1x16xf32> to vector<16xf32>
        %add3A_285 = arith.addf %get3A_280, %get3A_284 : vector<16xf32>
        %swap3A_286 = arith.index_cast %select_n3A_83 : i32 to index
        %swap3A_287 = arith.index_cast %scan3A_220 : i32 to index
        %swap3A_288 = arith.constant 48 : index
        %swap3A_289 = tpu.vector_load %arg9[%swap3A_286, %swap3A_287, %swap3A_288] {strides = array<i32>} : memref<2x128x64xf32, #tpu.memory_space<vmem>>, vector<1x1x16xf32>,
        %swap3A_290 = vector.shape_cast %swap3A_289 : vector<1x1x16xf32> to vector<16xf32>
        %swap3A_291 = vector.shape_cast %add3A_285 : vector<16xf32> to vector<1x1x16xf32>
        tpu.vector_store %arg9[%swap3A_286, %swap3A_287, %swap3A_288], %swap3A_291 {strides = array<i32>} : memref<2x128x64xf32, #tpu.memory_space<vmem>>, vector<1x1x16xf32>,
      }
      %scan3A_121 = arith.constant 128 : i32
      %mul3A_122 = arith.constant 50 : i32
      %mul3A_123 = arith.muli %add3A, %mul3A_122 : i32
      %add3A_124 = arith.addi %mul3A_123, %scan3A_74 : i32
      %dma_start3A_125 = arith.constant 0 : i32
      %dma_start3A_126 = arith.constant 0 : i32
      %dma_start3A_127 = tpu.memref_slice %arg9[%select_n3A_83, %dma_start3A_125, %dma_start3A_126] : memref<2x128x64xf32, #tpu.memory_space<vmem>> -> memref<1x128x64xf32, #tpu.memory_space<vmem>>
      %dma_start3A_128 = tpu.memref_squeeze %dma_start3A_127 : memref<1x128x64xf32, #tpu.memory_space<vmem>> -> memref<128x64xf32, #tpu.memory_space<vmem>>
      %dma_start3A_129 = arith.constant 0 : i32
      %dma_start3A_130 = arith.constant 0 : i32
      %dma_start3A_131 = tpu.memref_slice %arg5[%add3A_124, %dma_start3A_129, %dma_start3A_130] : memref<1600x128x64xf32, #tpu.memory_space<hbm>> -> memref<1x128x64xf32, #tpu.memory_space<hbm>>
      %dma_start3A_132 = tpu.memref_squeeze %dma_start3A_131 : memref<1x128x64xf32, #tpu.memory_space<hbm>> -> memref<128x64xf32, #tpu.memory_space<hbm>>
      %dma_start3A_133 = tpu.memref_slice %arg11[%select_n3A_83] : memref<2x!tpu.dma_semaphore, #tpu.memory_space<semaphore_mem>> -> memref<1x!tpu.dma_semaphore, #tpu.memory_space<semaphore_mem>>
      %dma_start3A_134 = tpu.memref_squeeze %dma_start3A_133 : memref<1x!tpu.dma_semaphore, #tpu.memory_space<semaphore_mem>> -> memref<!tpu.dma_semaphore, #tpu.memory_space<semaphore_mem>>
      %dma_start3A_135 = arith.constant 0 : i32
      %dma_start3A_136 = arith.constant 0 : i32
      %dma_start3A_137 = tpu.memref_slice %arg5[%add3A_124, %dma_start3A_135, %dma_start3A_136] : memref<1600x128x64xf32, #tpu.memory_space<hbm>> -> memref<1x128x64xf32, #tpu.memory_space<hbm>>
      %dma_start3A_138 = tpu.memref_squeeze %dma_start3A_137 : memref<1x128x64xf32, #tpu.memory_space<hbm>> -> memref<128x64xf32, #tpu.memory_space<hbm>>
      %dma_start3A_139 = arith.constant 0 : i32
      %dma_start3A_140 = arith.constant 0 : i32
      %dma_start3A_141 = tpu.memref_slice %arg9[%select_n3A_83, %dma_start3A_139, %dma_start3A_140] : memref<2x128x64xf32, #tpu.memory_space<vmem>> -> memref<1x128x64xf32, #tpu.memory_space<vmem>>
      %dma_start3A_142 = tpu.memref_squeeze %dma_start3A_141 : memref<1x128x64xf32, #tpu.memory_space<vmem>> -> memref<128x64xf32, #tpu.memory_space<vmem>>
      tpu.enqueue_dma source(%dma_start3A_142 : memref<128x64xf32, #tpu.memory_space<vmem>>) target(%dma_start3A_138 : memref<128x64xf32, #tpu.memory_space<hbm>>) target_semaphore(%dma_start3A_134 : memref<!tpu.dma_semaphore, #tpu.memory_space<semaphore_mem>>)
      %add3A_143 = arith.constant 2 : i32
      %add3A_144 = arith.addi %scan3A_74, %add3A_143 : i32
      %lt3A_145 = arith.constant 50 : i32
      %lt3A_146 = arith.cmpi slt, %add3A_144, %lt3A_145 : i32
      %convert_element_type3A_147 = arith.extui %lt3A_146 : i1 to i32
      %cond3A_148 = arith.constant 0 : i32
      %cond3A_149 = arith.cmpi ne, %convert_element_type3A_147, %cond3A_148 : i32
      scf.if %cond3A_149 {
        %add3A_150 = arith.constant 2 : i32
        %add3A_151 = arith.addi %scan3A_74, %add3A_150 : i32
        %mul3A_152 = arith.constant 128 : i32
        %mul3A_153 = arith.muli %add3A_151, %mul3A_152 : i32
        %dma_start3A_154 = arith.constant 0 : i32
        %dma_start3A_155 = arith.constant 0 : i32
        %dma_start3A_156 = tpu.memref_slice %arg8[%select_n3A_83, %dma_start3A_154, %dma_start3A_155] : memref<2x128x128xf32, #tpu.memory_space<vmem>> -> memref<1x128x128xf32, #tpu.memory_space<vmem>>
        %dma_start3A_157 = tpu.memref_squeeze %dma_start3A_156 : memref<1x128x128xf32, #tpu.memory_space<vmem>> -> memref<128x128xf32, #tpu.memory_space<vmem>>
        %dma_start3A_158 = tpu.memref_slice %arg7[%mul3A_153] : memref<6400xi32, #tpu.memory_space<vmem>> -> memref<128xi32, #tpu.memory_space<vmem>>
        %dma_start3A_159 = arith.constant 0 : i32
        %dma_start3A_160 = arith.constant 0 : i32
        %dma_start3A_161 = tpu.memref_slice %arg3[%dma_start3A_159, %dma_start3A_160] : memref<1000000x128xf32, #tpu.memory_space<hbm>> -> memref<1000000x128xf32, #tpu.memory_space<hbm>>
        %dma_start3A_162 = tpu.memref_slice %arg10[%select_n3A_83] : memref<2x!tpu.dma_semaphore, #tpu.memory_space<semaphore_mem>> -> memref<1x!tpu.dma_semaphore, #tpu.memory_space<semaphore_mem>>
        %dma_start3A_163 = tpu.memref_squeeze %dma_start3A_162 : memref<1x!tpu.dma_semaphore, #tpu.memory_space<semaphore_mem>> -> memref<!tpu.dma_semaphore, #tpu.memory_space<semaphore_mem>>
        tpu.enqueue_indirect_dma source(%dma_start3A_161 : memref<1000000x128xf32, #tpu.memory_space<hbm>>) target(%dma_start3A_157 : memref<128x128xf32, #tpu.memory_space<vmem>>) offsets(%dma_start3A_158 : memref<128xi32, #tpu.memory_space<vmem>>) semaphore(%dma_start3A_163 : memref<!tpu.dma_semaphore, #tpu.memory_space<semaphore_mem>>)
      } else {
      }
    }
    %scan3A_32 = arith.constant 50 : i32
    %dma_wait3A = arith.constant 0 : i32
    %dma_wait3A_33 = arith.constant 0 : i32
    %dma_wait3A_34 = arith.constant 0 : i32
    %dma_wait3A_35 = arith.constant 0 : i32
    %dma_wait3A_36 = arith.constant 0 : i32
    %dma_wait3A_37 = tpu.memref_slice %arg9[%dma_wait3A, %dma_wait3A_35, %dma_wait3A_36] : memref<2x128x64xf32, #tpu.memory_space<vmem>> -> memref<1x128x64xf32, #tpu.memory_space<vmem>>
    %dma_wait3A_38 = tpu.memref_squeeze %dma_wait3A_37 : memref<1x128x64xf32, #tpu.memory_space<vmem>> -> memref<128x64xf32, #tpu.memory_space<vmem>>
    %dma_wait3A_39 = arith.constant 0 : i32
    %dma_wait3A_40 = arith.constant 0 : i32
    %dma_wait3A_41 = tpu.memref_slice %arg5[%dma_wait3A_33, %dma_wait3A_39, %dma_wait3A_40] : memref<1600x128x64xf32, #tpu.memory_space<hbm>> -> memref<1x128x64xf32, #tpu.memory_space<hbm>>
    %dma_wait3A_42 = tpu.memref_squeeze %dma_wait3A_41 : memref<1x128x64xf32, #tpu.memory_space<hbm>> -> memref<128x64xf32, #tpu.memory_space<hbm>>
    %dma_wait3A_43 = tpu.memref_slice %arg11[%dma_wait3A_34] : memref<2x!tpu.dma_semaphore, #tpu.memory_space<semaphore_mem>> -> memref<1x!tpu.dma_semaphore, #tpu.memory_space<semaphore_mem>>
    %dma_wait3A_44 = tpu.memref_squeeze %dma_wait3A_43 : memref<1x!tpu.dma_semaphore, #tpu.memory_space<semaphore_mem>> -> memref<!tpu.dma_semaphore, #tpu.memory_space<semaphore_mem>>
    %dma_wait3A_45 = arith.constant 0 : i32
    %dma_wait3A_46 = arith.constant 0 : i32
    %dma_wait3A_47 = tpu.memref_slice %arg5[%dma_wait3A_33, %dma_wait3A_45, %dma_wait3A_46] : memref<1600x128x64xf32, #tpu.memory_space<hbm>> -> memref<1x128x64xf32, #tpu.memory_space<hbm>>
    %dma_wait3A_48 = tpu.memref_squeeze %dma_wait3A_47 : memref<1x128x64xf32, #tpu.memory_space<hbm>> -> memref<128x64xf32, #tpu.memory_space<hbm>>
    %dma_wait3A_49 = arith.constant 0 : i32
    %dma_wait3A_50 = arith.constant 0 : i32
    %dma_wait3A_51 = tpu.memref_slice %arg9[%dma_wait3A, %dma_wait3A_49, %dma_wait3A_50] : memref<2x128x64xf32, #tpu.memory_space<vmem>> -> memref<1x128x64xf32, #tpu.memory_space<vmem>>
    %dma_wait3A_52 = tpu.memref_squeeze %dma_wait3A_51 : memref<1x128x64xf32, #tpu.memory_space<vmem>> -> memref<128x64xf32, #tpu.memory_space<vmem>>
    tpu.wait_dma2 semaphore(%dma_wait3A_44 : memref<!tpu.dma_semaphore, #tpu.memory_space<semaphore_mem>>) src(%dma_wait3A_52 : memref<128x64xf32, #tpu.memory_space<vmem>>) dst(%dma_wait3A_48 : memref<128x64xf32, #tpu.memory_space<hbm>>)
    %dma_wait3A_53 = arith.constant 1 : i32
    %dma_wait3A_54 = arith.constant 0 : i32
    %dma_wait3A_55 = arith.constant 1 : i32
    %dma_wait3A_56 = arith.constant 0 : i32
    %dma_wait3A_57 = arith.constant 0 : i32
    %dma_wait3A_58 = tpu.memref_slice %arg9[%dma_wait3A_53, %dma_wait3A_56, %dma_wait3A_57] : memref<2x128x64xf32, #tpu.memory_space<vmem>> -> memref<1x128x64xf32, #tpu.memory_space<vmem>>
    %dma_wait3A_59 = tpu.memref_squeeze %dma_wait3A_58 : memref<1x128x64xf32, #tpu.memory_space<vmem>> -> memref<128x64xf32, #tpu.memory_space<vmem>>
    %dma_wait3A_60 = arith.constant 0 : i32
    %dma_wait3A_61 = arith.constant 0 : i32
    %dma_wait3A_62 = tpu.memref_slice %arg5[%dma_wait3A_54, %dma_wait3A_60, %dma_wait3A_61] : memref<1600x128x64xf32, #tpu.memory_space<hbm>> -> memref<1x128x64xf32, #tpu.memory_space<hbm>>
    %dma_wait3A_63 = tpu.memref_squeeze %dma_wait3A_62 : memref<1x128x64xf32, #tpu.memory_space<hbm>> -> memref<128x64xf32, #tpu.memory_space<hbm>>
    %dma_wait3A_64 = tpu.memref_slice %arg11[%dma_wait3A_55] : memref<2x!tpu.dma_semaphore, #tpu.memory_space<semaphore_mem>> -> memref<1x!tpu.dma_semaphore, #tpu.memory_space<semaphore_mem>>
    %dma_wait3A_65 = tpu.memref_squeeze %dma_wait3A_64 : memref<1x!tpu.dma_semaphore, #tpu.memory_space<semaphore_mem>> -> memref<!tpu.dma_semaphore, #tpu.memory_space<semaphore_mem>>
    %dma_wait3A_66 = arith.constant 0 : i32
    %dma_wait3A_67 = arith.constant 0 : i32
    %dma_wait3A_68 = tpu.memref_slice %arg5[%dma_wait3A_54, %dma_wait3A_66, %dma_wait3A_67] : memref<1600x128x64xf32, #tpu.memory_space<hbm>> -> memref<1x128x64xf32, #tpu.memory_space<hbm>>
    %dma_wait3A_69 = tpu.memref_squeeze %dma_wait3A_68 : memref<1x128x64xf32, #tpu.memory_space<hbm>> -> memref<128x64xf32, #tpu.memory_space<hbm>>
    %dma_wait3A_70 = arith.constant 0 : i32
    %dma_wait3A_71 = arith.constant 0 : i32
    %dma_wait3A_72 = tpu.memref_slice %arg9[%dma_wait3A_53, %dma_wait3A_70, %dma_wait3A_71] : memref<2x128x64xf32, #tpu.memory_space<vmem>> -> memref<1x128x64xf32, #tpu.memory_space<vmem>>
    %dma_wait3A_73 = tpu.memref_squeeze %dma_wait3A_72 : memref<1x128x64xf32, #tpu.memory_space<vmem>> -> memref<128x64xf32, #tpu.memory_space<vmem>>
    tpu.wait_dma2 semaphore(%dma_wait3A_65 : memref<!tpu.dma_semaphore, #tpu.memory_space<semaphore_mem>>) src(%dma_wait3A_73 : memref<128x64xf32, #tpu.memory_space<vmem>>) dst(%dma_wait3A_69 : memref<128x64xf32, #tpu.memory_space<hbm>>)
    return
  }
}

</mosaic_0001>

<sc_bundles>
// kernel: kernel.3.cloned.1.call-start
scs
__scs_entry_jumppad:
0x0: {  	(pc) =	sbr.rel $0x88, $3  }
0x1: {  	(tag) =	ssettag $0x0;
	lr =	simm.s32 $0x1  }
0x2: {  	[smem:$0x3F9E] =	sst lr;
	_ =	strace $0xD0000000  }
0x3: {  	_ = 	snop  }
0x4: {  	_ = 	snop  }
0x5: {  	_ = 	snop  }
0x6: {  	_ = 	snop  }
0x7: {  	_ = 	snop  }
__scs_overlays_trampoline_lowered:
0x8: {  	[smem:$0x3FAD] =	sst s0  }
0x9: {  	[smem:$0x3FAE] =	sst s1  }
0xa: {  	[smem:$0x3FAF] =	sst s2  }
0xb: {  	[smem:$0x3FB0] =	sst s3  }
0xc: {  	[smem:$0x3FB1] =	sst s4  }
0xd: {  	[smem:$0x3FB2] =	sst s5  }
0xe: {  	[smem:$0x3FB3] =	sst s6  }
0xf: {  	[smem:$0x3FB4] =	sst s7  }
0x10: {  	[smem:$0x3FB5] =	sst s8  }
0x11: {  	[smem:$0x3FB6] =	sst s9;
	s0 =	simm.s32 @!p0 $0x0  }
0x12: {  	s1 =	sld [smem:$0x3F9C];
	s0 =	simm.s32 @p0 $0x1  }
0x13: {  	[smem:$0x3FB7] =	sst s0;
	s0 =	simm.s32 @!p1 $0x0  }
0x14: {  	s2 =	sld [smem:$0x3F9B];
	s0 =	simm.s32 @p1 $0x1  }
0x15: {  	[smem:$0x3FB8] =	sst s0;
	s0 =	simm.s32 @!p2 $0x0  }
0x16: {  	s3 =	sld [smem:$0x3FDB];
	s0 =	simm.s32 @p2 $0x1  }
0x17: {  	s4 =	simm.s32 $0x1BF5;
	[smem:$0x3FBA] =	sst s0  }
0x18: {  	s0 =	sld [smem:$0x3F9D];
	_ =	swait.ge [sflag:s4], $0x0  }
0x19: {  	s7 =	sld [smem:$0x3F9E]  }
0x1a: {  	s8 =	sadd.s32 $0xFFFFE003, lr  }
0x1b: {  	s9 =	sadd.s32 $0xFFFFFEF7, lr;
	s5 =	simm.s32 $0xFFFFFFFF;
	p2 =	slt.u32 s8, $0xFFFFF086  }
0x1c: {  	p1 =	slt.u32 s9, $0xF7A;
	s5 =	simm.s32 @!p2 $0x0  }
0x1d: {  	s5 =	simm.s32 @p1 $0x1;
	p0 =	seq.s32 s7, s2  }
0x1e: {  	s7 =	smul.u32 @!p0 $0xF7A, s2;
	p2 =	seq.s32 @!p0 s5, $0x0  }
0x1f: {  	s9 =	smul.u32 $0xF7A, s1;
	s8 =	simm.s32 @!p0 $0x1BF5;
	p2 =	por !p2, p0  }
0x20: {  	[sflag:s8] =	ssyncset.s32 @!p0 $0xFFFFF086;
	s6 =	sadd.s32 @!p0 s3, s7;
	s7 =	simm.s32 @!p0 $0x108  }
0x21: {  	s3 =	sadd.s32 s3, s9;
	s6 =	sadd.s32 @!p0 $0x88, s6;
	s7 =	simm.s32 @p2 $0x1082  }
0x22: {  	[simem:s7], [sflag:s8] =	dma.local @!p0 [hbm:s6], $0xF7A  }
0x23: {  	s9 =	sor.u32 $0xD0000000, s2;
	s6 =	simm.s32 $0x108;
	_ =	swait.ge @!p0 [sflag:s8], $0x0  }
0x24: {  	s3 =	sadd.s32 $0x88, s3;
	s6 =	simm.s32 @!p1 $0x1082;
	[sflag:s4] =	ssyncset.s32 $0xFFFFF086  }
0x25: {  	[simem:s6], [sflag:s4] =	dma.local [hbm:s3], $0xF7A  }
0x26: {  	[smem:$0x3F9E] =	sst s1;
	(tag) =	ssettag s2;
	_ =	strace s9  }
0x27: {  	s1 =	sld [smem:$0x3FAE]  }
0x28: {  	s2 =	sld [smem:$0x3FAF]  }
0x29: {  	s4 =	sld [smem:$0x3FB1]  }
0x2a: {  	p0 =	seq.s32 s5, $0x0;
	s5 =	sld [smem:$0x3FB2]  }
0x2b: {  	s6 =	sld [smem:$0x3FB3]  }
0x2c: {  	s7 =	sld [smem:$0x3FB4]  }
0x2d: {  	s3 =	simm.s32 $0x108;
	s8 =	sld [smem:$0x3FB5]  }
0x2e: {  	s3 =	simm.s32 @!p0 $0x1082;
	s9 =	sld [smem:$0x3FB6]  }
0x2f: {  	lr =	sadd.s32 s0, s3;
	s0 =	sld [smem:$0x3FAD]  }
0x30: {  	s3 =	sld [smem:$0x3FB0]  }
0x31: {  	[smem:$0x3FB9] =	sst s10  }
0x32: {  	s10 =	sld [smem:$0x3FB7];
	_ =	sdelay $0x3  }
0x33: {  	p0 =	seq.s32 s10, $0x1;
	s10 =	sld [smem:$0x3FB9];
	_ =	sdelay $0x3  }
0x34: {  	[smem:$0x3FB9] =	sst s10  }
0x35: {  	s10 =	sld [smem:$0x3FB8];
	_ =	sdelay $0x3  }
0x36: {  	p1 =	seq.s32 s10, $0x1;
	s10 =	sld [smem:$0x3FB9];
	_ =	sdelay $0x3  }
0x37: {  	[smem:$0x3FB9] =	sst s10  }
0x38: {  	s10 =	sld [smem:$0x3FBA]  }
0x39: {  	_ = 	snop;
	(pc) =	sbr.ind lr, $3  }
0x3a: {  	_ = 	snop  }
0x3b: {  	_ = 	snop  }
0x3c: {  	p2 =	seq.s32 s10, $0x1;
	s10 =	sld [smem:$0x3FB9]  }
0x3d: {  	_ =	shalt  }
0x3e: {  	_ =	shalt  }
0x3f: {  	_ =	shalt  }
0x40: {  	_ =	shalt  }
0x41: {  	_ =	shalt  }
0x42: {  	_ =	shalt  }
0x43: {  	_ =	shalt  }
0x44: {  	_ =	shalt  }
0x45: {  	_ =	shalt  }
0x46: {  	_ =	shalt  }
0x47: {  	_ =	shalt  }
0x48: {  	_ =	shalt  }
0x49: {  	_ =	shalt  }
0x4a: {  	_ =	shalt  }
0x4b: {  	_ =	shalt  }
0x4c: {  	_ =	shalt  }
0x4d: {  	_ =	shalt  }
0x4e: {  	_ =	shalt  }
0x4f: {  	_ =	shalt  }
0x50: {  	_ =	shalt  }
0x51: {  	_ =	shalt  }
0x52: {  	_ =	shalt  }
0x53: {  	_ =	shalt  }
0x54: {  	_ =	shalt  }
0x55: {  	_ =	shalt  }
0x56: {  	_ =	shalt  }
0x57: {  	_ =	shalt  }
0x58: {  	_ =	shalt  }
0x59: {  	_ =	shalt  }
0x5a: {  	_ =	shalt  }
0x5b: {  	_ =	shalt  }
0x5c: {  	_ =	shalt  }
0x5d: {  	_ =	shalt  }
0x5e: {  	_ =	shalt  }
0x5f: {  	_ =	shalt  }
0x60: {  	_ =	shalt  }
0x61: {  	_ =	shalt  }
0x62: {  	_ =	shalt  }
0x63: {  	_ =	shalt  }
0x64: {  	_ =	shalt  }
0x65: {  	_ =	shalt  }
0x66: {  	_ =	shalt  }
0x67: {  	_ =	shalt  }
0x68: {  	_ =	shalt  }
0x69: {  	_ =	shalt  }
0x6a: {  	_ =	shalt  }
0x6b: {  	_ =	shalt  }
0x6c: {  	_ =	shalt  }
0x6d: {  	_ =	shalt  }
0x6e: {  	_ =	shalt  }
0x6f: {  	_ =	shalt  }
0x70: {  	_ =	shalt  }
0x71: {  	_ =	shalt  }
0x72: {  	_ =	shalt  }
0x73: {  	_ =	shalt  }
0x74: {  	_ =	shalt  }
0x75: {  	_ =	shalt  }
0x76: {  	_ =	shalt  }
0x77: {  	_ =	shalt  }
0x78: {  	_ =	shalt  }
0x79: {  	_ =	shalt  }
0x7a: {  	_ =	shalt  }
0x7b: {  	_ =	shalt  }
0x7c: {  	_ =	shalt  }
0x7d: {  	_ =	shalt  }
0x7e: {  	_ =	shalt  }
0x7f: {  	_ =	shalt  }
0x80: {  	_ =	shalt  }
0x81: {  	_ =	shalt  }
0x82: {  	_ =	shalt  }
0x83: {  	_ =	shalt  }
0x84: {  	_ =	shalt  }
0x85: {  	_ =	shalt  }
0x86: {  	_ =	shalt  }
0x87: {  	_ =	shalt  }
.Lfunc_end0:
.L_simem_size_0:
called_computation.1_lowered:
.L_overlay_start_0:
0x88: {  	s2 =	sld [smem:$0x3FD9]  }
0x89: {  	s3 =	sld [smem:$0x3FFE];
	_ =	sdelay $0x1  }
0x8a: {  	s1 =	srdreg.scid  }
0x8b: {  	s0 =	sand.u32 $0x1, s1  }
0x8c: {  	s17 =	sshll.u32 s0, $0xA;
	s2 =	sadd.s32 s3, s2  }
0x8d: {  	s2 =	sadd.s32 s2, s17  }
0x8e: {  	[smem:$0x3FC5] =	sst s2  }
0x8f: {  	_ = 	snop  }
0x90: {  	s2 =	sld [smem:$0x3FD0];
	(tm) =	ssettm $0x1  }
0x91: {  	s18 =	sld [smem:$0x3FFB];
	_ =	sdelay $0x3  }
0x92: {  	_ =	strace s18  }
0x93: {  	s3 =	sld [smem:$0x3FFC];
	_ =	sdelay $0x3  }
0x94: {  	_ =	strace s3  }
0x95: {  	s3 =	sld [smem:$0x3FFD];
	_ =	sdelay $0x3  }
0x96: {  	_ =	strace s3  }
0x97: {  	_ =	strace $0x8FFFFFFF  }
0x98: {  	s19 =	sld [smem:$0x3FDB];
	_ =	sdelay $0x1  }
0x99: {  	s4 =	simm.s32 $_scs_section_size  }
0x9a: {  	s5 =	simm.s32 $_size__tile_overlayer_lowered;
	s6 =	simm.s32 $_tile_overlayer_lowered  }
0x9b: {  	s22 =	simm.s32 $0x1BFF;
	s21 =	sshll.u32 s6, $0x1;
	s3 =	sadd.s32 s4, s19  }
0x9c: {  	s7 =	simm.s32 $0x0;
	s20 =	sshll.u32 s5, $0x1;
	s5 =	sadd.s32 s21, s3  }
0x9d: {  	[timem:s7], [sflag:s22] =	dma.local [hbm:s5], s20  }
0x9e: {  	_ =	swait.ge [sflag:s22], s20  }
0x9f: {  	s4 =	ssub.s32 $0x0, s20;
	[sflag:s22] =	ssyncset.done $0x0  }
0xa0: {  	[sflag:s22] =	ssyncadd.s32 s4;
	_ =	sdelay $0x1  }
0xa1: {  	s23 =	simm.s32 $0x1B8B  }
0xa2: {  	_ =	swait.ge [sflag:s23], $0x1  }
0xa3: {  	[sflag:s23] =	ssyncset.done $0x0  }
0xa4: {  	s25 =	simm.s32 $0x1B8E;
	s24 =	sld [smem:$0x3FFE];
	[sflag:s23] =	ssyncadd.s32 $0xFFFFFFFF  }
0xa5: {  	s26 =	simm.s32 $execute0_lowered;
	[smem:$0x3FD2] =	sst s25  }
0xa6: {  	s5 =	sshll.u32 s26, $0x1;
	_ =	strace $0x80000046;
	[dreg:$0x1] =	wrdreg $0xFFFFFFFF  }
0xa7: {  	s28 =	simm.s32 $_size_execute0_lowered;
	s3 =	sadd.s32 s3, s5;
	[dreg:$0x0] =	wrdreg $0x0  }
0xa8: {  	s5 =	sshll.u32 s28, $0x1;
	[dreg:$0x2] =	wrdreg s3  }
0xa9: {  	[dreg:$0x3] =	wrdreg s5  }
0xaa: {  	[dreg:$0x4] =	wrdreg $0xC0  }
0xab: {  	_ =	task [dreg:s7], $0x5FFFF  }
0xac: {  	[dreg:$0x1] =	wrdreg $0xFFFFFFFF  }
0xad: {  	[dreg:$0x0] =	wrdreg $0x60  }
0xae: {  	[dreg:$0x2] =	wrdreg s2  }
0xaf: {  	[dreg:$0x3] =	wrdreg s24  }
0xb0: {  	[dreg:$0x4] =	wrdreg $0x9  }
0xb1: {  	_ =	task.clear_ibuf [dreg:s7], $0x5FFFF;
	_ =	strace $0x90000046  }
0xb2: {  	s29 =	simm.s32 $0x9;
	_ =	strace $0x80000048  }
0xb3: {  	_ =	swait.ge [sflag:s29], $0x1  }
0xb4: {  	[sflag:s29] =	ssyncadd.s32 $0xFFFFFFFF  }
0xb5: {  	_ =	strace $0x90000048  }
0xb6: {  	_ =	sfence  }
0xb7: {  	s30 =	sld [smem:$0x0];
	_ =	sdelay $0x2  }
0xb8: {  	s31 =	sshll.u32 s1, $0xD;
	s1 =	sshrl.u32 s1, $0x2  }
0xb9: {  	s3 =	sand.u32 $0x4000, s31;
	s1 =	sadd.s32 s1, s30  }
0xba: {  	s0 =	sor.u32 s3, s0;
	s1 =	sshll.u32 s1, $0x11  }
0xbb: {  	s0 =	sor.u32 s1, s0  }
0xbc: {  	s0 =	sadd.s32 $0x8F2B, s0  }
0xbd: {  	[sflag:s0] =	ssyncadd.remote.s32 $0x1  }
0xbe: {  	_ =	sfence.sel $0xFFFF  }
0xbf: {  	[dreg:$0x0] =	wrdreg $0xFFFFFFFF;
	(pc) =	sbr.abs _section_cstart, $3  }
0xc0: {  	[dreg:$0x1] =	wrdreg $0xFFFFFFFF  }
0xc1: {  	_ =	task.clear_ibuf [dreg:s7], $0x2FFFF;
	_ =	strace $0x9FFFFFFF  }
0xc2: {  	(tm) =	ssettm $0x7FFFFFFF  }
0xc3: {  	_ =	shalt  }
tec
execute0_lowered:
.L_overlay_start_1:
0x0: {  	(tag) =	ssettag $0x1  }
0x1: {  	s6 =	rddreg [dreg:$0x0]  }
0x2: {  	s5 =	rddreg [dreg:$0x1]  }
0x3: {  	s2 =	simm.s32 $0x0;
	s3 =	srdreg.scid;
	s1 =	stileid.u32  }
0x4: {  	s11 =	simm.s32 $0x80;
	s12 =	simm.s32 $0x7D00;
	s13 =	simm.s32 $0x6480  }
0x5: {  	s14 =	simm.s32 $0xBD00;
	s15 =	simm.s32 $0x3;
	s16 =	simm.s32 $0x4  }
0x6: {  	[smem:$0x7FF] =	sst s2;
	s3 =	sand.u32 $0x1, s3;
	s4 =	sshll.u32 s1, $0x1  }
0x7: {  	s17 =	simm.s32 $0x0;
	_ =	strace $0x80000047;
	s8 =	sor.u32 s3, s4  }
0x8: {  	s7 =	ssub.s32 $0x2, s3;
	s3 =	sadd.s32 $0xF43E00, s5;
	s10 =	smul.u32 $0x320, s8  }
0x9: {  	s4 =	sadd.s32 $0xF43000, s5;
	s5 =	sadd.s32 $0xC00, s5;
	s9 =	sshrl.u32 s7, $0x1  }
0xa: {  	s9 =	ssub.s32 s7, s9;
	s7 =	smul.u32 $0x32, s8;
	s6 =	sadd.s32 s6, s10  }
0xb: {  	s8 =	smax.u32 s9, $0x1;
	s9 =	simm.s32 $0x5;
	s10 =	simm.s32 $0x6400  }
.LBB2_1:
0xc: {  	[tilespmem:s2], [sflag:$0x5] =	stream.linear.gather [hbm4b:s4+s2], $0x6400, $0x38;
	[tilespmem:$0x17D00] =	vst v63  }
0xd: {  	_ =	swait.ge [sflag:s9], $0x6400  }
0xe: {  	[sflag:s9] =	ssyncset.done $0x0  }
0xf: {  	[sflag:s9] =	ssyncadd.s32 $0xFFFF9C00  }
0x10: {  	[tilespmem:s10], [sflag:$0x5] =	stream.linear.gather [hbm4b:s6+s2], $0x1900, $0x38;
	[tilespmem:$0x17D00] =	vst v63  }
0x11: {  	_ =	swait.ge [sflag:s9], $0x1900  }
0x12: {  	[sflag:s9] =	ssyncset.done $0x0  }
0x13: {  	[sflag:s9] =	ssyncadd.s32 $0xFFFFE700  }
0x14: {  	[tilespmem:s12], [sflag:$0x1] =	stream.indirect.gather [hbm4b:s3+s11], $0x80, s10, s11, $0xb8;
	[tilespmem:$0x17D00] =	vst v63  }
0x15: {  	p0 =	por $0x0, $0x0;
	s18 =	simm.s32 $0x0;
	s19 =	simm.s32 $0x0  }
0x16: {  	[tilespmem:s14], [sflag:$0x2] =	stream.indirect.gather [hbm4b:s3+s11], $0x80, s13, s11, $0xb8;
	[tilespmem:$0x17D00] =	vst v63  }
.LBB2_2:
0x17: {  	s20 =	smulhi.u32 $0x51EB851F, s18;
	_ =	sdelay $0x1  }
0x18: {  	s20 =	sshrl.u32 s20, $0x6  }
0x19: {  	s20 =	smul.u32 $0xC8, s20;
	_ =	sdelay $0x1  }
0x1a: {  	s21 =	sand.u32 $0x1, s19;
	s22 =	ssub.s32 s18, s20  }
0x1b: {  	s23 =	simm.s32 $0x1;
	s20 =	sadd.s32 $0x1, s21;
	s25 =	sadd.s32 $0xFFFFFFFE, s22  }
0x1c: {  	p1 =	slt.u32 s19, $0x2;
	_ =	swait.ge [sflag:s20], $0x4000;
	s24 =	sadd.s32 $0x2, s25  }
0x1d: {  	[sflag:s20] =	ssyncset.done $0x0;
	p2 =	slt.u32 s24, $0xC8;
	s24 =	simm.s32 $0x0  }
0x1e: {  	s26 =	sadd.s32 @!p1 $0x3, s21;
	[sflag:s20] =	ssyncadd.s32 $0xFFFFC000;
	s24 =	simm.s32 @!p2 $0x7FFF38  }
0x1f: {  	s23 =	simm.s32 @!p0 $0x0;
	_ =	swait.ge @!p1 [sflag:s26], $0x4000;
	s24 =	sadd.s32 s24, s25  }
0x20: {  	s28 =	sshll.u32 s23, $0xE;
	[sflag:s26] =	ssyncset.done @!p1 $0x0;
	s24 =	sshll.u32 s24, $0x9  }
0x21: {  	s23 =	sadd.s32 $0x7D80, s28;
	[sflag:s26] =	ssyncadd.s32 @!p1 $0xFFFFC000;
	s24 =	sadd.s32 $0x400, s24  }
0x22: {  	v0 =	vld [tilespmem:s23+$0xFFFFFF80];
	s0 =	sshra.s32 s24, $0x2  }
0x23: {  	v1 =	vld [tilespmem:s0+$0x0];
	_ =	sdelay $0x4  }
0x24: {  	v0 =	vadd.f32 v1, v0  }
0x25: {  	s24 =	sadd.s32 $0xFD80, s28  }
0x26: {  	[tilespmem:s24+$0xFFFFFF80] =	vst v0  }
0x27: {  	v0 =	vld [tilespmem:s23+$0xFFFFFF90]  }
0x28: {  	v1 =	vld [tilespmem:s0+$0x10];
	_ =	sdelay $0x4  }
0x29: {  	v0 =	vadd.f32 v1, v0;
	_ =	sdelay $0x1  }
0x2a: {  	[tilespmem:s24+$0xFFFFFF90] =	vst v0  }
0x2b: {  	v0 =	vld [tilespmem:s23+$0xFFFFFFA0]  }
0x2c: {  	v1 =	vld [tilespmem:s0+$0x20];
	_ =	sdelay $0x4  }
0x2d: {  	v0 =	vadd.f32 v1, v0;
	_ =	sdelay $0x1  }
0x2e: {  	[tilespmem:s24+$0xFFFFFFA0] =	vst v0  }
0x2f: {  	v0 =	vld [tilespmem:s23+$0xFFFFFFB0]  }
0x30: {  	v1 =	vld [tilespmem:s0+$0x30];
	_ =	sdelay $0x1  }
0x31: {  	s31 =	sadd.s32 $0x3, s25  }
0x32: {  	p1 =	slt.u32 s31, $0xC8;
	s26 =	simm.s32 $0x0  }
0x33: {  	s26 =	simm.s32 @!p1 $0x7FFF38  }
0x34: {  	s25 =	sadd.s32 s26, s25;
	v0 =	vadd.f32 v1, v0  }
0x35: {  	s25 =	sshll.u32 s25, $0x9  }
0x36: {  	s25 =	sadd.s32 $0x600, s25;
	[tilespmem:s24+$0xFFFFFFB0] =	vst v0  }
0x37: {  	s30 =	sshra.s32 s25, $0x2;
	v0 =	vld [tilespmem:s23+$0x0]  }
0x38: {  	v1 =	vld [tilespmem:s30+$0x0];
	_ =	sdelay $0x4  }
0x39: {  	v0 =	vadd.f32 v1, v0;
	_ =	sdelay $0x1  }
0x3a: {  	[tilespmem:s24+$0x0] =	vst v0  }
0x3b: {  	v0 =	vld [tilespmem:s23+$0x10]  }
0x3c: {  	v1 =	vld [tilespmem:s30+$0x10];
	_ =	sdelay $0x4  }
0x3d: {  	v0 =	vadd.f32 v1, v0;
	_ =	sdelay $0x1  }
0x3e: {  	[tilespmem:s24+$0x10] =	vst v0  }
0x3f: {  	v0 =	vld [tilespmem:s23+$0x20]  }
0x40: {  	v1 =	vld [tilespmem:s30+$0x20];
	_ =	sdelay $0x4  }
0x41: {  	v0 =	vadd.f32 v1, v0;
	_ =	sdelay $0x1  }
0x42: {  	s26 =	sshll.u32 s21, $0xE;
	[tilespmem:s24+$0x20] =	vst v0  }
0x43: {  	s29 =	simm.s32 $0x0;
	s28 =	smov.u32 s24;
	s25 =	sadd.s32 $0x7D00, s26;
	v0 =	vld [tilespmem:s23+$0x30]  }
.LBB2_3:
0x44: {  	v1 =	vld [tilespmem:s30+$0x30];
	s23 =	sadd.s32 $0x100, s23;
	s30 =	smov.u32 s29  }
0x45: {  	s24 =	sadd.s32 $0x100, s24;
	s29 =	sadd.s32 $0x2, s29;
	s30 =	sadd.s32 s30, s22  }
0x46: {  	p1 =	slt.u32 s29, $0x7E;
	s31 =	sadd.s32 $0x2, s30  }
0x47: {  	s0 =	sadd.s32 $0x3, s30;
	p2 =	slt.u32 s31, $0xC8  }
0x48: {  	p3 =	slt.u32 s0, $0xC8;
	s0 =	simm.s32 $0x0;
	s31 =	simm.s32 $0x0  }
0x49: {  	s0 =	simm.s32 @!p2 $0x7FFF38;
	s31 =	simm.s32 @!p3 $0x7FFF38  }
0x4a: {  	s0 =	sadd.s32 s0, s30;
	s30 =	sadd.s32 s31, s30;
	v0 =	vadd.f32 v1, v0  }
0x4b: {  	s0 =	sshll.u32 s0, $0x9;
	s30 =	sshll.u32 s30, $0x9  }
0x4c: {  	s0 =	sadd.s32 $0x400, s0;
	s30 =	sadd.s32 $0x600, s30;
	[tilespmem:s28+$0x30] =	vst v0;
	s28 =	smov.u32 s24  }
0x4d: {  	v0 =	vld [tilespmem:s23+$0xFFFFFF80];
	s0 =	sshra.s32 s0, $0x2  }
0x4e: {  	v1 =	vld [tilespmem:s0+$0x0];
	_ =	sdelay $0x4  }
0x4f: {  	v0 =	vadd.f32 v1, v0;
	_ =	sdelay $0x1  }
0x50: {  	[tilespmem:s24+$0xFFFFFF80] =	vst v0  }
0x51: {  	v0 =	vld [tilespmem:s23+$0xFFFFFF90]  }
0x52: {  	v1 =	vld [tilespmem:s0+$0x10];
	_ =	sdelay $0x4  }
0x53: {  	v0 =	vadd.f32 v1, v0;
	_ =	sdelay $0x1  }
0x54: {  	[tilespmem:s24+$0xFFFFFF90] =	vst v0  }
0x55: {  	v0 =	vld [tilespmem:s23+$0xFFFFFFA0]  }
0x56: {  	v1 =	vld [tilespmem:s0+$0x20];
	_ =	sdelay $0x4  }
0x57: {  	v0 =	vadd.f32 v1, v0;
	_ =	sdelay $0x1  }
0x58: {  	[tilespmem:s24+$0xFFFFFFA0] =	vst v0  }
0x59: {  	v0 =	vld [tilespmem:s23+$0xFFFFFFB0]  }
0x5a: {  	v1 =	vld [tilespmem:s0+$0x30];
	_ =	sdelay $0x4  }
0x5b: {  	v0 =	vadd.f32 v1, v0;
	_ =	sdelay $0x1  }
0x5c: {  	[tilespmem:s24+$0xFFFFFFB0] =	vst v0  }
0x5d: {  	s30 =	sshra.s32 s30, $0x2;
	v0 =	vld [tilespmem:s23+$0x0]  }
0x5e: {  	v1 =	vld [tilespmem:s30+$0x0];
	_ =	sdelay $0x4  }
0x5f: {  	v0 =	vadd.f32 v1, v0;
	_ =	sdelay $0x1  }
0x60: {  	[tilespmem:s24+$0x0] =	vst v0  }
0x61: {  	v0 =	vld [tilespmem:s23+$0x10]  }
0x62: {  	v1 =	vld [tilespmem:s30+$0x10];
	_ =	sdelay $0x4  }
0x63: {  	v0 =	vadd.f32 v1, v0;
	_ =	sdelay $0x1  }
0x64: {  	[tilespmem:s24+$0x10] =	vst v0  }
0x65: {  	v0 =	vld [tilespmem:s23+$0x20]  }
0x66: {  	v1 =	vld [tilespmem:s30+$0x20];
	_ =	sdelay $0x3  }
.Ltmp0:
0x67: {  	(pc) =	sbr.rel @p1 .LBB2_3-.Ltmp0, $3  }
0x68: {  	v0 =	vadd.f32 v1, v0;
	_ =	sdelay $0x1  }
0x69: {  	[tilespmem:s24+$0x20] =	vst v0  }
0x6a: {  	v0 =	vld [tilespmem:s23+$0x30]  }
0x6b: {  	v1 =	vld [tilespmem:s30+$0x30];
	_ =	sdelay $0x4  }
0x6c: {  	s0 =	sadd.s32 s7, s19;
	v0 =	vadd.f32 v1, v0  }
0x6d: {  	s21 =	sadd.s32 $0x3, s21;
	s0 =	sshll.u32 s0, $0xB  }
0x6e: {  	s22 =	sadd.s32 $0xFD00, s26;
	p1 =	sgt.u32 s19, $0x2F;
	s0 =	sadd.s32 s5, s0;
	[tilespmem:s28+$0x30] =	vst v0  }
0x6f: {  	[hbm4b:s0+s2] =	stream.linear.scatter [tilespmem:s22], [sflag:s21], $0x4000, $0x38;
	[tilespmem:$0x17D00] =	vst v63  }
0x70: {  	s0 =	sshll.u32 @!p1 s19, $0x7  }
0x71: {  	s0 =	sand.u32 @!p1 $0x3FFFFF80, s0  }
0x72: {  	s21 =	simm.s32 @!p1 $0x80;
	s19 =	sadd.s32 $0x1, s19;
	s0 =	sadd.s32 @!p1 $0x6500, s0  }
0x73: {  	[tilespmem:s25], [sflag:s20] =	stream.indirect.gather @!p1 [hbm4b:s3+s21], $0x80, s0, s21, $0xb8;
	[tilespmem:$0x17D00] =	vst v63  }
0x74: {  	p1 =	sne.s32 s19, $0x32  }
.Ltmp1:
0x75: {  	_ = 	snop;
	(pc) =	sbr.rel @p1 .LBB2_2-.Ltmp1, $2  }
0x76: {  	_ =	sdelay $0x2  }
0x77: {  	s18 =	sadd.s32 $0x80, s18;
	p0 =	por !p0, !p0  }
0x78: {  	s17 =	sadd.s32 $0x1, s17  }
0x79: {  	_ =	swait.ge [sflag:s15], $0x4000;
	p0 =	sne.s32 s17, s8  }
.Ltmp2:
0x7a: {  	[sflag:s15] =	ssyncset.done $0x0;
	(pc) =	sbr.rel @p0 .LBB2_1-.Ltmp2, $4  }
0x7b: {  	[sflag:s15] =	ssyncadd.s32 $0xFFFFC000  }
0x7c: {  	_ =	swait.ge [sflag:s16], $0x4000  }
0x7d: {  	[sflag:s16] =	ssyncset.done $0x0  }
0x7e: {  	[sflag:s16] =	ssyncadd.s32 $0xFFFFC000  }
0x7f: {  	_ =	sfence.sel $0x180000  }
0x80: {  	[bflag:$0x0] =	sbarrier.arrive $0xFFFF  }
0x81: {  	_ =	strace $0x90000047  }
0x82: {  	[bflag:$0x2] =	sbarrier.arrive $0xFFFF  }
0x83: {  	p0 =	sne.s32 s1, $0x0;
	s0 =	rddreg [dreg:$0x2]  }
0x84: {  	s0 =	sadd.s32 @!p0 $0x100000, s0  }
0x85: {  	[sflag:s0] =	ssyncadd.tile.s32 @!p0 $0x1;
	_ =	shalt  }
.Lfunc_end2:
_tile_overlayer_lowered:
.L_overlay_start_2:
0x86: {  	(tag) =	ssettag $0x2  }
0x87: {  	s0 =	rddreg [dreg:$0x0];
	s2 =	stileid.u32  }
0x88: {  	s1 =	rddreg [dreg:$0x1];
	p0 =	sne.s32 s2, $0x0  }
0x89: {  	s3 =	rddreg [dreg:$0x2];
	[bflag:$0x3] =	sbarrier.arrive $0xFFFF;
	s2 =	simm.s32 @!p0 $0x1C05  }
0x8a: {  	[timem:s3], [sflag:s2] =	dma.local @!p0 [hbm:s0], s1  }
0x8b: {  	s0 =	simm.s32 @!p0 $0x5  }
0x8c: {  	_ =	swait.ge @!p0 [sflag:s0], s1  }
0x8d: {  	s1 =	ssub.s32 @!p0 $0x0, s1;
	[sflag:s0] =	ssyncset.done @!p0 $0x0  }
0x8e: {  	[sflag:s0] =	ssyncadd.s32 @!p0 s1  }
0x8f: {  	[bflag:$0x3] =	sbarrier.arrive $0xFFFF  }
0x90: {  	_ =	shalt  }

// kernel: sparse-core-data-format-call.cloned.1.call-start
scs
called_computation_lowered:
.L_overlay_start_0:
0x0: {  	s2 =	sld [smem:$0x3FD9]  }
0x1: {  	s3 =	sld [smem:$0x3FFE];
	_ =	sdelay $0x1  }
0x2: {  	s1 =	srdreg.scid  }
0x3: {  	s0 =	sand.u32 $0x1, s1  }
0x4: {  	s18 =	sshll.u32 s0, $0xA;
	s2 =	sadd.s32 s3, s2  }
0x5: {  	s2 =	sadd.s32 s2, s18  }
0x6: {  	[smem:$0x3FC5] =	sst s2  }
0x7: {  	_ = 	snop  }
0x8: {  	s2 =	sld [smem:$0x3FD0];
	(tm) =	ssettm $0x1  }
0x9: {  	s19 =	sld [smem:$0x3FFB];
	_ =	sdelay $0x3  }
0xa: {  	_ =	strace s19  }
0xb: {  	s3 =	sld [smem:$0x3FFC];
	_ =	sdelay $0x3  }
0xc: {  	_ =	strace s3  }
0xd: {  	s3 =	sld [smem:$0x3FFD];
	_ =	sdelay $0x3  }
0xe: {  	_ =	strace s3  }
0xf: {  	_ =	strace $0x8FFFFFFF  }
0x10: {  	s20 =	sld [smem:$0x3FDB];
	_ =	sdelay $0x1  }
0x11: {  	s4 =	simm.s32 $_scs_section_size  }
0x12: {  	s5 =	simm.s32 $_size__tile_overlayer_lowered;
	s6 =	simm.s32 $_tile_overlayer_lowered  }
0x13: {  	s23 =	simm.s32 $0x1BFF;
	s22 =	sshll.u32 s6, $0x1;
	s3 =	sadd.s32 s4, s20  }
0x14: {  	s7 =	simm.s32 $0x0;
	s21 =	sshll.u32 s5, $0x1;
	s5 =	sadd.s32 s22, s3  }
0x15: {  	[timem:s7], [sflag:s23] =	dma.local [hbm:s5], s21  }
0x16: {  	_ =	swait.ge [sflag:s23], s21  }
0x17: {  	s4 =	ssub.s32 $0x0, s21;
	[sflag:s23] =	ssyncset.done $0x0  }
0x18: {  	[sflag:s23] =	ssyncadd.s32 s4;
	_ =	sdelay $0x1  }
0x19: {  	s24 =	simm.s32 $0x1B8B  }
0x1a: {  	_ =	swait.ge [sflag:s24], $0x1  }
0x1b: {  	[sflag:s24] =	ssyncset.done $0x0  }
0x1c: {  	s26 =	simm.s32 $0x1B8E;
	s25 =	sld [smem:$0x3FFE];
	[sflag:s24] =	ssyncadd.s32 $0xFFFFFFFF  }
0x1d: {  	s27 =	simm.s32 $execute0_lowered;
	[smem:$0x3FD2] =	sst s26  }
0x1e: {  	s5 =	sshll.u32 s27, $0x1;
	_ =	strace $0x80000049;
	[dreg:$0x1] =	wrdreg $0xFFFFFFFF  }
0x1f: {  	s28 =	simm.s32 $_size_execute0_lowered;
	s3 =	sadd.s32 s3, s5;
	[dreg:$0x0] =	wrdreg $0x0  }
0x20: {  	s5 =	sshll.u32 s28, $0x1;
	[dreg:$0x2] =	wrdreg s3  }
0x21: {  	[dreg:$0x3] =	wrdreg s5  }
0x22: {  	[dreg:$0x4] =	wrdreg $0xC0  }
0x23: {  	_ =	task [dreg:s7], $0x5FFFF  }
0x24: {  	[dreg:$0x1] =	wrdreg $0xFFFFFFFF  }
0x25: {  	[dreg:$0x0] =	wrdreg $0x60  }
0x26: {  	[dreg:$0x2] =	wrdreg s25  }
0x27: {  	[dreg:$0x3] =	wrdreg s2  }
0x28: {  	[dreg:$0x4] =	wrdreg $0x9  }
0x29: {  	_ =	task.clear_ibuf [dreg:s7], $0x5FFFF;
	_ =	strace $0x90000049  }
0x2a: {  	s29 =	simm.s32 $0x9;
	_ =	strace $0x8000004B  }
0x2b: {  	_ =	swait.ge [sflag:s29], $0x1  }
0x2c: {  	[sflag:s29] =	ssyncadd.s32 $0xFFFFFFFF  }
0x2d: {  	_ =	strace $0x9000004B  }
0x2e: {  	_ =	sfence  }
0x2f: {  	s30 =	sld [smem:$0x0];
	_ =	sdelay $0x2  }
0x30: {  	s31 =	sshll.u32 s1, $0xD;
	s1 =	sshrl.u32 s1, $0x2  }
0x31: {  	s3 =	sand.u32 $0x4000, s31;
	s1 =	sadd.s32 s1, s30  }
0x32: {  	s0 =	sor.u32 s3, s0;
	s1 =	sshll.u32 s1, $0x11  }
0x33: {  	s0 =	sor.u32 s1, s0  }
0x34: {  	s0 =	sadd.s32 $0x8F2B, s0  }
0x35: {  	[sflag:s0] =	ssyncadd.remote.s32 $0x1  }
0x36: {  	_ =	sfence.sel $0xFFFF  }
0x37: {  	[dreg:$0x0] =	wrdreg $0xFFFFFFFF;
	(pc) =	sbr.abs _section_cstart, $3  }
0x38: {  	[dreg:$0x1] =	wrdreg $0xFFFFFFFF  }
0x39: {  	_ =	task.clear_ibuf [dreg:s7], $0x2FFFF;
	_ =	strace $0x9FFFFFFF  }
0x3a: {  	(tm) =	ssettm $0x7FFFFFFF  }
0x3b: {  	_ =	shalt  }
tec
execute0_lowered:
.L_overlay_start_1:
0x0: {  	(tag) =	ssettag $0x1  }
0x1: {  	s0 =	stileid.u32;
	s6 =	rddreg [dreg:$0x0]  }
0x2: {  	s2 =	rddreg [dreg:$0x1];
	s5 =	srdreg.scid  }
0x3: {  	s31 =	simm.s32 $0x2;
	s13 =	simm.s32 $0x0;
	s1 =	sshll.u32 s0, $0x7  }
0x4: {  	s14 =	simm.s32 $0x0;
	s12 =	simm.s32 $0x0;
	s3 =	sand.u32 $0x380, s1  }
0x5: {  	s5 =	sshll.u32 s5, $0x4;
	s6 =	sadd.s32 $0xC00, s6;
	s4 =	ssub.s32 $0x400, s3  }
0x6: {  	s1 =	rddreg [dreg:$0x2];
	_ =	strace $0x8000004A;
	s7 =	sand.u32 $0x380, s4  }
0x7: {  	s5 =	sand.u32 $0x10, s5;
	p0 =	sne.s32 s7, $0x0;
	s7 =	simm.s32 $0x1  }
.Ltmp0:
0x8: {  	s8 =	sshrl.u32 s4, $0xA;
	s7 =	simm.s32 @!p0 $0x0;
	(pc) =	sbr.rel .LBB1_1-.Ltmp0, $4  }
0x9: {  	s9 =	sor.u32 s0, s5;
	s4 =	simm.s32 $0x1;
	s30 =	sadd.s32 s7, s8  }
0xa: {  	s11 =	smov.u32 s3;
	[sflag:s4] =	ssyncpa.u1 $0x0;
	s5 =	smul.u32 $0x32, s30  }
0xb: {  	[sflag:s31] =	ssyncpa.u1 $0x0;
	p0 =	por $0x0, $0x0;
	s7 =	sshrl.u32 s9, $0x3  }
0xc: {  	s9 =	simm.s32 $0x2000;
	s10 =	smov.u32 s7;
	s8 =	sor.u32 $0x1, s5  }
.LBB1_4:
0xd: {  	s17 =	sand.u32 $0x1F80, s14;
	s13 =	sshll.u32 s13, $0xD  }
0xe: {  	[tilespmem:s16+$0x810 ss:$0x81] =	vst.msk $0xffff, v2;
	s18 =	sshrl.u32 s14, $0x3;
	s31 =	sand.u32 $0x7, s14;
	s17 =	sadd.s32 s2, s17  }
0xf: {  	[tilespmem:s16+$0x1020 ss:$0x81] =	vst.msk $0xffff, v0;
	s18 =	sand.u32 $0xF, s18;
	s14 =	sshll.u32 s31, $0x12;
	s13 =	sadd.s32 s13, s17  }
0x10: {  	[tilespmem:s16+$0x0 ss:$0x81] =	vst.msk $0xffff, v1;
	s14 =	sor.u32 $0x400, s14;
	s13 =	sadd.s32 s18, s13  }
0x11: {  	[hbm4b:s13+s14] =	stream.strided.scatter [tilespmem:s15], [sflag:$0x2], $0x2000, s9, s14, $0x20;
	[tilespmem:$0x8080] =	vst v63  }
.LBB1_5:
0x12: {  	s15 =	sadd.s32 $0x4, s10  }
0x13: {  	s13 =	sadd.s32 $0x400, s11;
	s17 =	smov.u32 s11;
	p2 =	sgt.s32 s15, $0xC7  }
0x14: {  	s17 =	smov.u32 @p2 s13  }
0x15: {  	s15 =	smov.u32 @p2 s7;
	p2 =	sgt.s32 s17, $0x3FF  }
0x16: {  	s17 =	smov.u32 @p2 s3;
	p2 =	sne.s32 s12, s8  }
.Ltmp1:
0x17: {  	p1 =	slt.u32 s12, $0x2;
	(pc) =	sbr.rel @!p2 .LBB1_6-.Ltmp1, $4  }
0x18: {  	s16 =	simm.s32 @!p1 $0x2  }
0x19: {  	s14 =	smov.u32 s11;
	p0 =	por !p0, !p0;
	_ =	swait.ge @!p1 [sflag:s16], $0x2000  }
0x1a: {  	s13 =	smov.u32 s10;
	[sflag:s16] =	ssyncset.done @!p1 $0x0;
	s10 =	smov.u32 s15  }
0x1b: {  	s12 =	sadd.s32 $0x1, s12;
	[sflag:s16] =	ssyncadd.s32 @!p1 $0xFFFFE000;
	s11 =	smov.u32 s17  }
.LBB1_1:
0x1c: {  	p1 =	sge.u32 s12, s5  }
0x1d: {  	s15 =	sand.u32 @!p1 $0x1FFFFFF, s10  }
0x1e: {  	s16 =	smulhi.u32 @!p1 $0x147AE15, s15;
	_ =	sdelay $0x1  }
0x1f: {  	s16 =	smul.u32 @!p1 $0xC8, s16  }
0x20: {  	s17 =	sxor.u32 @!p1 $0xFFFFFFFF, s12;
	s18 =	smul.u32 @!p1 $0xC80, s11  }
0x21: {  	s31 =	sadd.s32 $0xFFFFFFFF, s12;
	s17 =	sshll.u32 @!p1 s17, $0xD;
	s15 =	ssub.s32 @!p1 s15, s16  }
0x22: {  	s16 =	sand.u32 @!p1 $0x2000, s17;
	s17 =	sadd.s32 @!p1 s6, s18;
	s15 =	sshll.u32 @!p1 s15, $0x4  }
0x23: {  	s18 =	simm.s32 @!p1 $0x6400;
	s15 =	sadd.s32 @!p1 s15, s17;
	s17 =	simm.s32 @!p1 $0x40  }
0x24: {  	[tilespmem:s16], [sflag:$0x1] =	stream.strided.gather @!p1 [hbm4b:s15+s17], $0x2000, s18, s17, $0x38;
	[tilespmem:$0x8080] =	vst v63  }
0x25: {  	p1 =	sge.u32 s31, s5  }
.Ltmp2:
0x26: {  	_ = 	snop;
	(pc) =	sbr.rel @p1 .LBB1_5-.Ltmp2, $1  }
0x27: {  	_ =	sdelay $0x3  }
0x28: {  	s15 =	simm.s32 $0x1  }
0x29: {  	_ =	swait.ge [sflag:s4], $0x2000;
	s15 =	simm.s32 @!p0 $0x0  }
0x2a: {  	[sflag:s4] =	ssyncset.done $0x0;
	s16 =	sshll.u32 s15, $0xD  }
0x2b: {  	[sflag:s4] =	ssyncadd.s32 $0xFFFFE000;
	s19 =	sor.u32 $0x20, s16  }
0x2c: {  	s15 =	smul.u32 $0x8100, s15;
	v3 =	vld [tilespmem:s19+$0x10]  }
0x2d: {  	s30 =	sand.u32 $0x1, s12;
	v2 =	vld [tilespmem:s19+$0xFFFFFFF0]  }
0x2e: {  	s16 =	smul.u32 $0x8100, s30;
	s15 =	sshrl.u32 s15, $0x2;
	v0 =	vld [tilespmem:s19+$0x0]  }
0x2f: {  	v1 =	vld [tilespmem:s19+$0xFFFFFFE0];
	s17 =	sor.u32 $0x4000, s15  }
0x30: {  	s31 =	sshrl.u32 s16, $0x2;
	s16 =	sadd.s32 $0x0, s17  }
0x31: {  	s18 =	simm.s32 $0x4;
	s19 =	sadd.s32 $0x40, s19;
	s15 =	sor.u32 $0x4000, s31;
	[tilespmem:s16+$0x1830 ss:$0x81] =	vst.msk $0xffff, v3  }
.LBB1_3:
0x32: {  	v3 =	vld [tilespmem:s19+$0x10];
	p1 =	sne.s32 s18, $0x1FC;
	[tilespmem:s16+$0x810 ss:$0x81] =	vst.msk $0xffff, v2;
	s20 =	smov.u32 s18;
	s18 =	sadd.s32 $0x4, s18  }
.Ltmp3:
0x33: {  	v2 =	vld [tilespmem:s19+$0xFFFFFFF0];
	[tilespmem:s16+$0x1020 ss:$0x81] =	vst.msk $0xffff, v0;
	(pc) =	sbr.rel @p1 .LBB1_3-.Ltmp3, $4  }
0x34: {  	v0 =	vld [tilespmem:s19+$0x0];
	[tilespmem:s16+$0x0 ss:$0x81] =	vst.msk $0xffff, v1  }
0x35: {  	s16 =	sshra.s32 s20, $0x2;
	v1 =	vld [tilespmem:s19+$0xFFFFFFE0]  }
0x36: {  	s16 =	sadd.s32 s16, s17  }
0x37: {  	s19 =	sadd.s32 $0x40, s19;
	[tilespmem:s16+$0x1830 ss:$0x81] =	vst.msk $0xffff, v3  }
.Ltmp4:
0x38: {  	_ = 	snop;
	(pc) =	sbr.rel .LBB1_4-.Ltmp4, $1  }
0x39: {  	_ =	sdelay $0x3  }
.LBB1_6:
0x3a: {  	_ =	sfence.sel $0x180000  }
0x3b: {  	s2 =	simm.s32 $0x1;
	[bflag:$0x0] =	sbarrier.arrive $0xFFFF  }
0x3c: {  	s31 =	simm.s32 $0x2;
	[sflag:s2] =	ssyncpa.u1 $0x1  }
0x3d: {  	[sflag:s31] =	ssyncpa.u1 $0x1  }
0x3e: {  	p0 =	sne.s32 s0, $0x0;
	_ =	strace $0x9000004A  }
0x3f: {  	s0 =	sadd.s32 @!p0 $0x100000, s1;
	[bflag:$0x2] =	sbarrier.arrive $0xFFFF  }
0x40: {  	[sflag:s0] =	ssyncadd.tile.s32 @!p0 $0x1;
	_ =	shalt  }
.Lfunc_end1:
_tile_overlayer_lowered:
.L_overlay_start_2:
0x41: {  	(tag) =	ssettag $0x2  }
0x42: {  	s0 =	rddreg [dreg:$0x0];
	s2 =	stileid.u32  }
0x43: {  	s1 =	rddreg [dreg:$0x1];
	p0 =	sne.s32 s2, $0x0  }
0x44: {  	s3 =	rddreg [dreg:$0x2];
	[bflag:$0x3] =	sbarrier.arrive $0xFFFF;
	s2 =	simm.s32 @!p0 $0x1C01  }
0x45: {  	[timem:s3], [sflag:s2] =	dma.local @!p0 [hbm:s0], s1  }
0x46: {  	s0 =	simm.s32 @!p0 $0x1  }
0x47: {  	_ =	swait.ge @!p0 [sflag:s0], s1  }
0x48: {  	s1 =	ssub.s32 @!p0 $0x0, s1;
	[sflag:s0] =	ssyncset.done @!p0 $0x0  }
0x49: {  	[sflag:s0] =	ssyncadd.s32 @!p0 s1  }
0x4a: {  	[bflag:$0x3] =	sbarrier.arrive $0xFFFF  }
0x4b: {  	_ =	shalt  }

</sc_bundles>
